<compile_context>
chip_gen: v7x
topology: tpu7x:2x2x1
jax: 0.10.2.dev20260603
libtpu: 0.0.44.dev20260713+nightly
codegen_flags: <defaults>
</compile_context>

<pallas_src>
import functools

import jax
import jax.numpy as jnp
from jax import lax
from jax.experimental import pallas as pl
from jax.experimental.pallas import tpu as pltpu
from jax.experimental.pallas import tpu_sc as plsc

N_NODES = 100000
N_EDGES = 1600000
HEADS = 8
OUT_CH = 8

NC = 2
NS = 16
NW = NC * NS
LANES = 16

BLK = 640
CHUNK = 640
NCHUNK = BLK // CHUNK
GPC = CHUNK // LANES
NBLOCKS = N_EDGES // BLK
BLK_PER, BLK_REM = divmod(NBLOCKS, NW)
ROWS_PER_TILE = N_NODES // NS
NZCOPY = ROWS_PER_TILE // BLK
ZTAIL = ROWS_PER_TILE - NZCOPY * BLK
XST = 6248


def _sc_body(x_hbm, src_hbm, dst_hbm, sv_hbm, dv_hbm, part_hbm,
             srcbuf, dstbuf, xsbuf, xdbuf, contrib, svv, dvv,
             acc, x_sh, sem_g, sem_a, sem_s):
    c = lax.axis_index("c")
    s = lax.axis_index("s")
    wid = s * NC + c

    pltpu.sync_copy(sv_hbm, svv)
    pltpu.sync_copy(dv_hbm, dvv)

    pltpu.sync_copy(x_hbm.at[pl.ds(s * XST, XST)], x_sh.at[pl.ds(s * XST, XST)])

    @pl.when(s == NS - 1)
    def _():
        pltpu.sync_copy(x_hbm.at[pl.ds(NS * XST, N_NODES - NS * XST)],
                        x_sh.at[pl.ds(NS * XST, N_NODES - NS * XST)])

    def _zero_rows(i, _):
        contrib[i, :] = jnp.zeros((LANES,), jnp.float32)
        return 0
    lax.fori_loop(0, BLK, _zero_rows, 0)

    def _zero_acc(j, _):
        pltpu.sync_copy(contrib,
                        acc.at[pl.ds(s * ROWS_PER_TILE + j * BLK, BLK)])
        return 0
    lax.fori_loop(0, NZCOPY, _zero_acc, 0)
    pltpu.sync_copy(contrib.at[pl.ds(0, ZTAIL)],
                    acc.at[pl.ds(s * ROWS_PER_TILE + NZCOPY * BLK, ZTAIL)])
    plsc.subcore_barrier()

    svh = [svv[h] for h in range(HEADS)]
    dvh = [dvv[h] for h in range(HEADS)]
    iota = lax.iota(jnp.int32, LANES)
    cols_d = [jnp.full((LANES,), h, jnp.int32) for h in range(HEADS)]
    cols_n = [jnp.full((LANES,), HEADS + h, jnp.int32) for h in range(HEADS)]

    nblk = BLK_PER + jnp.where(wid < BLK_REM, 1, 0)
    start = wid * BLK_PER + jnp.minimum(wid, BLK_REM)

    def _block(b, _):
        blk = start + b
        cp1 = pltpu.async_copy(src_hbm.at[blk], srcbuf, sem_g)
        cp2 = pltpu.async_copy(dst_hbm.at[blk], dstbuf, sem_g)
        cp1.wait()
        cp2.wait()
        cps = []
        for k in range(NCHUNK):
            cps.append(pltpu.async_copy(
                x_sh.at[srcbuf.at[pl.ds(k * CHUNK, CHUNK)]],
                xsbuf.at[pl.ds(k * CHUNK, CHUNK)], sem_a))
            cps.append(pltpu.async_copy(
                x_sh.at[dstbuf.at[k]],
                xdbuf.at[pl.ds(k * CHUNK, CHUNK)], sem_a))
        for cp in cps:
            cp.wait()

        def _group(i, _):
            xs = xsbuf[pl.ds(i * LANES, LANES)]
            xd = xdbuf[pl.ds(i * LANES, LANES)]
            row_idx = iota + i * LANES
            for h in range(HEADS):
                e = xs * svh[h] + xd * dvh[h]
                e = jnp.maximum(e, e * jnp.float32(0.2))
                ex = jnp.exp(e)
                plsc.store_scatter(contrib, [row_idx, cols_d[h]], ex)
                plsc.store_scatter(contrib, [row_idx, cols_n[h]], ex * xs)
            return 0

        lax.fori_loop(0, BLK // LANES, _group, 0)

        for k in range(NCHUNK):
            pltpu.async_copy(contrib.at[pl.ds(k * CHUNK, CHUNK)],
                             acc.at[dstbuf.at[k]], sem_s, add=True)
        pltpu.make_async_copy(contrib, acc.at[pl.ds(0, BLK)], sem_s).wait()
        return 0

    lax.fori_loop(0, nblk, _block, 0)
    plsc.subcore_barrier()

    pltpu.sync_copy(acc.at[pl.ds(s * ROWS_PER_TILE, ROWS_PER_TILE)],
                    part_hbm.at[c, pl.ds(s * ROWS_PER_TILE, ROWS_PER_TILE)])


@functools.partial(
    pl.kernel,
    mesh=plsc.VectorSubcoreMesh(core_axis_name="c", subcore_axis_name="s"),
    compiler_params=pltpu.CompilerParams(use_tc_tiling_on_sc=False,
                                         needs_layout_passes=False),
    out_type=jax.ShapeDtypeStruct((NC, N_NODES, 2 * HEADS), jnp.float32),
    scratch_types=[
        pltpu.VMEM((BLK,), jnp.int32),
        pltpu.VMEM((NCHUNK, CHUNK), jnp.int32),
        pltpu.VMEM((BLK,), jnp.float32),
        pltpu.VMEM((BLK,), jnp.float32),
        pltpu.VMEM((BLK, 2 * HEADS), jnp.float32),
        pltpu.VMEM((HEADS, LANES), jnp.float32),
        pltpu.VMEM((HEADS, LANES), jnp.float32),
        pltpu.VMEM_SHARED((N_NODES, 2 * HEADS), jnp.float32),
        pltpu.VMEM_SHARED((N_NODES,), jnp.float32),
        pltpu.SemaphoreType.DMA,
        pltpu.SemaphoreType.DMA,
        pltpu.SemaphoreType.DMA,
    ],
)
def _sc_edge_pass(x_hbm, src_hbm, dst_hbm, sv_hbm, dv_hbm, part_hbm,
                  srcbuf, dstbuf, xsbuf, xdbuf, contrib, svv, dvv,
                  acc, x_sh, sem_g, sem_a, sem_s):
    _sc_body(x_hbm, src_hbm, dst_hbm, sv_hbm, dv_hbm, part_hbm,
             srcbuf, dstbuf, xsbuf, xdbuf, contrib, svv, dvv,
             acc, x_sh, sem_g, sem_a, sem_s)


FIN_BN = 1000


def _finalize_body(p_ref, s_ref, b_ref, o_ref):
    p = p_ref[0] + p_ref[1]
    den = p[:, :HEADS]
    num = p[:, HEADS:]
    g = num / (den + jnp.float32(1e-16))
    o = jnp.dot(g, s_ref[...], preferred_element_type=jnp.float32)
    o_ref[...] = jnp.maximum(o + b_ref[...], jnp.float32(0.0))


_finalize = pl.pallas_call(
    _finalize_body,
    out_shape=jax.ShapeDtypeStruct((N_NODES, HEADS * OUT_CH), jnp.float32),
    grid=(N_NODES // FIN_BN,),
    in_specs=[
        pl.BlockSpec((NC, FIN_BN, 2 * HEADS), lambda i: (0, i, 0)),
        pl.BlockSpec((HEADS, HEADS * OUT_CH), lambda i: (0, 0)),
        pl.BlockSpec((1, HEADS * OUT_CH), lambda i: (0, 0)),
    ],
    out_specs=pl.BlockSpec((FIN_BN, HEADS * OUT_CH), lambda i: (i, 0)),
)


def kernel(x, edge_index, W, a_src, a_dst, bias):
    xf = x.reshape(N_NODES)
    src = edge_index[0].reshape(NBLOCKS, BLK)
    dst = edge_index[1].reshape(NBLOCKS, NCHUNK, CHUNK)
    Wr = W.reshape(HEADS, OUT_CH)
    s = jnp.sum(Wr * a_src, axis=1)
    d = jnp.sum(Wr * a_dst, axis=1)
    sv = jnp.broadcast_to(s[:, None], (HEADS, LANES))
    dv = jnp.broadcast_to(d[:, None], (HEADS, LANES))
    part = _sc_edge_pass(xf, src, dst, sv, dv)
    S = jnp.repeat(jnp.eye(HEADS, dtype=jnp.float32), OUT_CH, axis=1) * W
    out = _finalize(part, S, bias.reshape(1, HEADS * OUT_CH))
    return out

# --- scband reference (transcript-rebuilt; emitter-appended) ---
"""Pipeline reference for scband-gnn-37623913513027 (READ-ONLY COPY).

The authoritative reference and input builder live on the scoring server;
editing this copy changes nothing except your own understanding.
"""

import jax, jax.numpy as jnp
import numpy as np

N_NODES = 100000
N_EDGES = 1600000
HEADS = 8
OUT_CH = 8


def setup_inputs(seed: int = 0) -> dict:
    key = jax.random.key(seed)
    ks = jax.random.split(key, 6)
    x = jax.random.normal(ks[0], (N_NODES, 1), dtype=jnp.float32)
    edge_index = jax.random.randint(ks[1], (2, N_EDGES), 0, N_NODES, dtype=jnp.int32)
    W = jax.random.normal(ks[2], (1, HEADS * OUT_CH), dtype=jnp.float32) * 0.1
    a_src = jax.random.normal(ks[3], (HEADS, OUT_CH), dtype=jnp.float32) * 0.1
    a_dst = jax.random.normal(ks[4], (HEADS, OUT_CH), dtype=jnp.float32) * 0.1
    bias = jnp.zeros((HEADS * OUT_CH,), dtype=jnp.float32)
    return {"x": x, "edge_index": edge_index, "W": W, "a_src": a_src, "a_dst": a_dst, "bias": bias}


def reference(x, edge_index, W, a_src, a_dst, bias):
    # Faithful GATConv(1, hidden_channels, heads=num_heads, concat=True) + ReLU,
    # the core message-passing step of GNN.forward (conv1 + F.relu).
    N = x.shape[0]
    H, C = a_src.shape
    h = (x @ W).reshape(N, H, C)                       # linear projection per head
    src = edge_index[0]
    dst = edge_index[1]
    alpha_src = jnp.sum(h * a_src[None, :, :], axis=-1)  # [N, H]
    alpha_dst = jnp.sum(h * a_dst[None, :, :], axis=-1)  # [N, H]
    e = alpha_src[src] + alpha_dst[dst]                  # [E, H] gather
    e = jax.nn.leaky_relu(e, negative_slope=0.2)
    # softmax over incoming edges of each dst node
    e_max = jax.ops.segment_max(e, dst, num_segments=N)
    e_max = jnp.where(jnp.isfinite(e_max), e_max, 0.0)
    e_max = jax.lax.stop_gradient(e_max)
    ex = jnp.exp(e - e_max[dst])
    denom = jax.ops.segment_sum(ex, dst, num_segments=N)
    attn = ex / (denom[dst] + 1e-16)                     # [E, H]
    msg = h[src] * attn[:, :, None]                      # [E, H, C] gather + weight
    out = jax.ops.segment_sum(msg, dst, num_segments=N)  # scatter-add aggregate
    out = out.reshape(N, H * C) + bias[None, :]          # concat heads + bias
    out = jax.nn.relu(out)
    return out

if __name__ == "__main__":
    import jax
    _d = setup_inputs()
    print(jax.jit(kernel)(*tuple(_d.values())))

</pallas_src>

<mosaic_0001>
#map = affine_map<(d0, d1) -> (0)>
#map1 = affine_map<(d0, d1) -> (0, 0)>
#map2 = affine_map<(d0, d1) -> (0, 0, 0)>
module attributes {stable_mosaic.version = 14 : i64} {
  func.func @_sc_edge_pass(%arg0: i32, %arg1: i32, %arg2: memref<100000xf32, #tpu.memory_space<hbm>>, %arg3: memref<2500x640xi32, #tpu.memory_space<hbm>>, %arg4: memref<2500x1x640xi32, #tpu.memory_space<hbm>>, %arg5: memref<8x16xf32, #tpu.memory_space<hbm>>, %arg6: memref<8x16xf32, #tpu.memory_space<hbm>>, %arg7: memref<2x100000x16xf32, #tpu.memory_space<hbm>>, %arg8: memref<640xi32, #tpu.memory_space<vmem>>, %arg9: memref<1x640xi32, #tpu.memory_space<vmem>>, %arg10: memref<640xf32, #tpu.memory_space<vmem>>, %arg11: memref<640xf32, #tpu.memory_space<vmem>>, %arg12: memref<640x16xf32, #tpu.memory_space<vmem>>, %arg13: memref<8x16xf32, #tpu.memory_space<vmem>>, %arg14: memref<8x16xf32, #tpu.memory_space<vmem>>, %arg15: memref<100000x16xf32, #tpu.memory_space<vmem_shared>>, %arg16: memref<100000xf32, #tpu.memory_space<vmem_shared>>, %arg17: memref<!tpu.dma_semaphore, #tpu.memory_space<semaphore_mem>>, %arg18: memref<!tpu.dma_semaphore, #tpu.memory_space<semaphore_mem>>, %arg19: memref<!tpu.dma_semaphore, #tpu.memory_space<semaphore_mem>>) attributes {dimension_semantics = [#tpu.dimension_semantics<core_parallel>, #tpu.dimension_semantics<subcore_parallel>], iteration_bounds = array<i64: 2, 16>, scalar_prefetch = 0 : i64, scratch_operands = 12 : i64, tpu.core_type = #tpu.core_type<sc_vector_subcore>, window_params = [{transform_indices = #map}, {transform_indices = #map1}, {transform_indices = #map2}, {transform_indices = #map1}, {transform_indices = #map1}, {transform_indices = #map2}]} {
    %mul3A = arith.constant 2 : i32
    %mul3A_0 = arith.muli %arg1, %mul3A : i32
    %add3A = arith.addi %mul3A_0, %arg0 : i32
    "tpu.region"() ({
      %run_scoped3A = tpu.sem_alloc : memref<!tpu.dma_semaphore, #tpu.memory_space<semaphore_mem>>
      tpu.enqueue_dma source(%arg5 : memref<8x16xf32, #tpu.memory_space<hbm>>) target(%arg13 : memref<8x16xf32, #tpu.memory_space<vmem>>) target_semaphore(%run_scoped3A : memref<!tpu.dma_semaphore, #tpu.memory_space<semaphore_mem>>)
      tpu.wait_dma2 semaphore(%run_scoped3A : memref<!tpu.dma_semaphore, #tpu.memory_space<semaphore_mem>>) src(%arg5 : memref<8x16xf32, #tpu.memory_space<hbm>>) dst(%arg13 : memref<8x16xf32, #tpu.memory_space<vmem>>)
      tpu.yield
    }) : () -> ()
    "tpu.region"() ({
      %run_scoped3A = tpu.sem_alloc : memref<!tpu.dma_semaphore, #tpu.memory_space<semaphore_mem>>
      tpu.enqueue_dma source(%arg6 : memref<8x16xf32, #tpu.memory_space<hbm>>) target(%arg14 : memref<8x16xf32, #tpu.memory_space<vmem>>) target_semaphore(%run_scoped3A : memref<!tpu.dma_semaphore, #tpu.memory_space<semaphore_mem>>)
      tpu.wait_dma2 semaphore(%run_scoped3A : memref<!tpu.dma_semaphore, #tpu.memory_space<semaphore_mem>>) src(%arg6 : memref<8x16xf32, #tpu.memory_space<hbm>>) dst(%arg14 : memref<8x16xf32, #tpu.memory_space<vmem>>)
      tpu.yield
    }) : () -> ()
    %mul3A_1 = arith.constant 6248 : i32
    %mul3A_2 = arith.muli %arg1, %mul3A_1 : i32
    %mul3A_3 = arith.constant 6248 : i32
    %mul3A_4 = arith.muli %arg1, %mul3A_3 : i32
    "tpu.region"() ({
      %run_scoped3A = tpu.sem_alloc : memref<!tpu.dma_semaphore, #tpu.memory_space<semaphore_mem>>
      %dma_start3A = tpu.memref_slice %arg16[%mul3A_4] : memref<100000xf32, #tpu.memory_space<vmem_shared>> -> memref<6248xf32, #tpu.memory_space<vmem_shared>>
      %dma_start3A_142 = tpu.memref_slice %arg2[%mul3A_2] : memref<100000xf32, #tpu.memory_space<hbm>> -> memref<6248xf32, #tpu.memory_space<hbm>>
      tpu.enqueue_dma source(%dma_start3A_142 : memref<6248xf32, #tpu.memory_space<hbm>>) target(%dma_start3A : memref<6248xf32, #tpu.memory_space<vmem_shared>>) target_semaphore(%run_scoped3A : memref<!tpu.dma_semaphore, #tpu.memory_space<semaphore_mem>>)
      %dma_wait3A = tpu.memref_slice %arg16[%mul3A_4] : memref<100000xf32, #tpu.memory_space<vmem_shared>> -> memref<6248xf32, #tpu.memory_space<vmem_shared>>
      %dma_wait3A_143 = tpu.memref_slice %arg2[%mul3A_2] : memref<100000xf32, #tpu.memory_space<hbm>> -> memref<6248xf32, #tpu.memory_space<hbm>>
      tpu.wait_dma2 semaphore(%run_scoped3A : memref<!tpu.dma_semaphore, #tpu.memory_space<semaphore_mem>>) src(%dma_wait3A_143 : memref<6248xf32, #tpu.memory_space<hbm>>) dst(%dma_wait3A : memref<6248xf32, #tpu.memory_space<vmem_shared>>)
      tpu.yield
    }) : () -> ()
    %eq3A = arith.constant 15 : i32
    %eq3A_5 = arith.cmpi eq, %arg1, %eq3A : i32
    %convert_element_type3A = arith.extui %eq3A_5 : i1 to i32
    %cond3A = arith.constant 0 : i32
    %cond3A_6 = arith.cmpi ne, %convert_element_type3A, %cond3A : i32
    scf.if %cond3A_6 {
      "tpu.region"() ({
        %run_scoped3A = tpu.sem_alloc : memref<!tpu.dma_semaphore, #tpu.memory_space<semaphore_mem>>
        %dma_start3A = arith.constant 99968 : i32
        %dma_start3A_142 = tpu.memref_slice %arg16[%dma_start3A] : memref<100000xf32, #tpu.memory_space<vmem_shared>> -> memref<32xf32, #tpu.memory_space<vmem_shared>>
        %dma_start3A_143 = arith.constant 99968 : i32
        %dma_start3A_144 = tpu.memref_slice %arg2[%dma_start3A_143] : memref<100000xf32, #tpu.memory_space<hbm>> -> memref<32xf32, #tpu.memory_space<hbm>>
        tpu.enqueue_dma source(%dma_start3A_144 : memref<32xf32, #tpu.memory_space<hbm>>) target(%dma_start3A_142 : memref<32xf32, #tpu.memory_space<vmem_shared>>) target_semaphore(%run_scoped3A : memref<!tpu.dma_semaphore, #tpu.memory_space<semaphore_mem>>)
        %dma_wait3A = arith.constant 99968 : i32
        %dma_wait3A_145 = tpu.memref_slice %arg16[%dma_wait3A] : memref<100000xf32, #tpu.memory_space<vmem_shared>> -> memref<32xf32, #tpu.memory_space<vmem_shared>>
        %dma_wait3A_146 = arith.constant 99968 : i32
        %dma_wait3A_147 = tpu.memref_slice %arg2[%dma_wait3A_146] : memref<100000xf32, #tpu.memory_space<hbm>> -> memref<32xf32, #tpu.memory_space<hbm>>
        tpu.wait_dma2 semaphore(%run_scoped3A : memref<!tpu.dma_semaphore, #tpu.memory_space<semaphore_mem>>) src(%dma_wait3A_147 : memref<32xf32, #tpu.memory_space<hbm>>) dst(%dma_wait3A_145 : memref<32xf32, #tpu.memory_space<vmem_shared>>)
        tpu.yield
      }) : () -> ()
    } else {
    }
    %scan3A = arith.constant 0 : i32
    %scan3A_7 = arith.constant 0 : i32
    %scan3A_8 = arith.constant 640 : i32
    %scan3A_9 = arith.addi %scan3A_7, %scan3A_8 : i32
    %scan3A_10 = arith.constant 1 : i32
    %scan3A_11 = scf.for %scan3A_142 = %scan3A_7 to %scan3A_9 step %scan3A_10 iter_args(%scan3A_143 = %scan3A) -> (i32)  : i32 {
      %broadcast_in_dim3A_144 = arith.constant 0.000000e+00 : f32
      %broadcast_in_dim3A_145 = vector.broadcast %broadcast_in_dim3A_144 : f32 to vector<16xf32>
      %swap3A = arith.index_cast %scan3A_142 : i32 to index
      %swap3A_146 = arith.constant 0 : index
      %swap3A_147 = tpu.vector_load %arg12[%swap3A, %swap3A_146] {strides = array<i32>} : memref<640x16xf32, #tpu.memory_space<vmem>>, vector<16xf32>,
      tpu.vector_store %arg12[%swap3A, %swap3A_146], %broadcast_in_dim3A_145 {strides = array<i32>} : memref<640x16xf32, #tpu.memory_space<vmem>>, vector<16xf32>,
      %scan3A_148 = arith.constant 0 : i32
      scf.yield %scan3A_148 : i32
    }
    %scan3A_12 = arith.constant 640 : i32
    %scan3A_13 = arith.constant 0 : i32
    %scan3A_14 = arith.constant 0 : i32
    %scan3A_15 = arith.constant 9 : i32
    %scan3A_16 = arith.addi %scan3A_14, %scan3A_15 : i32
    %scan3A_17 = arith.constant 1 : i32
    %scan3A_18 = scf.for %scan3A_142 = %scan3A_14 to %scan3A_16 step %scan3A_17 iter_args(%scan3A_143 = %scan3A_13) -> (i32)  : i32 {
      %mul3A_144 = arith.constant 6250 : i32
      %mul3A_145 = arith.muli %arg1, %mul3A_144 : i32
      %mul3A_146 = arith.constant 640 : i32
      %mul3A_147 = arith.muli %scan3A_142, %mul3A_146 : i32
      %add3A_148 = arith.addi %mul3A_145, %mul3A_147 : i32
      "tpu.region"() ({
        %run_scoped3A = tpu.sem_alloc : memref<!tpu.dma_semaphore, #tpu.memory_space<semaphore_mem>>
        %dma_start3A = arith.constant 0 : i32
        %dma_start3A_150 = tpu.memref_slice %arg15[%add3A_148, %dma_start3A] : memref<100000x16xf32, #tpu.memory_space<vmem_shared>> -> memref<640x16xf32, #tpu.memory_space<vmem_shared>>
        %dma_start3A_151 = arith.constant 0 : i32
        %dma_start3A_152 = tpu.memref_slice %arg15[%add3A_148, %dma_start3A_151] : memref<100000x16xf32, #tpu.memory_space<vmem_shared>> -> memref<640x16xf32, #tpu.memory_space<vmem_shared>>
        tpu.enqueue_dma source(%arg12 : memref<640x16xf32, #tpu.memory_space<vmem>>) target(%dma_start3A_152 : memref<640x16xf32, #tpu.memory_space<vmem_shared>>) target_semaphore(%run_scoped3A : memref<!tpu.dma_semaphore, #tpu.memory_space<semaphore_mem>>)
        %dma_wait3A = arith.constant 0 : i32
        %dma_wait3A_153 = tpu.memref_slice %arg15[%add3A_148, %dma_wait3A] : memref<100000x16xf32, #tpu.memory_space<vmem_shared>> -> memref<640x16xf32, #tpu.memory_space<vmem_shared>>
        %dma_wait3A_154 = arith.constant 0 : i32
        %dma_wait3A_155 = tpu.memref_slice %arg15[%add3A_148, %dma_wait3A_154] : memref<100000x16xf32, #tpu.memory_space<vmem_shared>> -> memref<640x16xf32, #tpu.memory_space<vmem_shared>>
        tpu.wait_dma2 semaphore(%run_scoped3A : memref<!tpu.dma_semaphore, #tpu.memory_space<semaphore_mem>>) src(%arg12 : memref<640x16xf32, #tpu.memory_space<vmem>>) dst(%dma_wait3A_155 : memref<640x16xf32, #tpu.memory_space<vmem_shared>>)
        tpu.yield
      }) : () -> ()
      %scan3A_149 = arith.constant 0 : i32
      scf.yield %scan3A_149 : i32
    }
    %scan3A_19 = arith.constant 9 : i32
    %mul3A_20 = arith.constant 6250 : i32
    %mul3A_21 = arith.muli %arg1, %mul3A_20 : i32
    %add3A_22 = arith.constant 5760 : i32
    %add3A_23 = arith.addi %mul3A_21, %add3A_22 : i32
    "tpu.region"() ({
      %run_scoped3A = tpu.sem_alloc : memref<!tpu.dma_semaphore, #tpu.memory_space<semaphore_mem>>
      %dma_start3A = arith.constant 0 : i32
      %dma_start3A_142 = arith.constant 0 : i32
      %dma_start3A_143 = tpu.memref_slice %arg12[%dma_start3A, %dma_start3A_142] : memref<640x16xf32, #tpu.memory_space<vmem>> -> memref<490x16xf32, #tpu.memory_space<vmem>>
      %dma_start3A_144 = arith.constant 0 : i32
      %dma_start3A_145 = tpu.memref_slice %arg15[%add3A_23, %dma_start3A_144] : memref<100000x16xf32, #tpu.memory_space<vmem_shared>> -> memref<490x16xf32, #tpu.memory_space<vmem_shared>>
      %dma_start3A_146 = arith.constant 0 : i32
      %dma_start3A_147 = tpu.memref_slice %arg15[%add3A_23, %dma_start3A_146] : memref<100000x16xf32, #tpu.memory_space<vmem_shared>> -> memref<490x16xf32, #tpu.memory_space<vmem_shared>>
      %dma_start3A_148 = arith.constant 0 : i32
      %dma_start3A_149 = arith.constant 0 : i32
      %dma_start3A_150 = tpu.memref_slice %arg12[%dma_start3A_148, %dma_start3A_149] : memref<640x16xf32, #tpu.memory_space<vmem>> -> memref<490x16xf32, #tpu.memory_space<vmem>>
      tpu.enqueue_dma source(%dma_start3A_150 : memref<490x16xf32, #tpu.memory_space<vmem>>) target(%dma_start3A_147 : memref<490x16xf32, #tpu.memory_space<vmem_shared>>) target_semaphore(%run_scoped3A : memref<!tpu.dma_semaphore, #tpu.memory_space<semaphore_mem>>)
      %dma_wait3A = arith.constant 0 : i32
      %dma_wait3A_151 = arith.constant 0 : i32
      %dma_wait3A_152 = tpu.memref_slice %arg12[%dma_wait3A, %dma_wait3A_151] : memref<640x16xf32, #tpu.memory_space<vmem>> -> memref<490x16xf32, #tpu.memory_space<vmem>>
      %dma_wait3A_153 = arith.constant 0 : i32
      %dma_wait3A_154 = tpu.memref_slice %arg15[%add3A_23, %dma_wait3A_153] : memref<100000x16xf32, #tpu.memory_space<vmem_shared>> -> memref<490x16xf32, #tpu.memory_space<vmem_shared>>
      %dma_wait3A_155 = arith.constant 0 : i32
      %dma_wait3A_156 = tpu.memref_slice %arg15[%add3A_23, %dma_wait3A_155] : memref<100000x16xf32, #tpu.memory_space<vmem_shared>> -> memref<490x16xf32, #tpu.memory_space<vmem_shared>>
      %dma_wait3A_157 = arith.constant 0 : i32
      %dma_wait3A_158 = arith.constant 0 : i32
      %dma_wait3A_159 = tpu.memref_slice %arg12[%dma_wait3A_157, %dma_wait3A_158] : memref<640x16xf32, #tpu.memory_space<vmem>> -> memref<490x16xf32, #tpu.memory_space<vmem>>
      tpu.wait_dma2 semaphore(%run_scoped3A : memref<!tpu.dma_semaphore, #tpu.memory_space<semaphore_mem>>) src(%dma_wait3A_159 : memref<490x16xf32, #tpu.memory_space<vmem>>) dst(%dma_wait3A_156 : memref<490x16xf32, #tpu.memory_space<vmem_shared>>)
      tpu.yield
    }) : () -> ()
    %barrier3A = arith.constant 0 : index
    tpu.barrier barrier_id(%barrier3A)
    %get3A = arith.constant 0 : i32
    %get3A_24 = arith.index_cast %get3A : i32 to index
    %get3A_25 = arith.constant 0 : index
    %get3A_26 = tpu.vector_load %arg13[%get3A_24, %get3A_25] {strides = array<i32>} : memref<8x16xf32, #tpu.memory_space<vmem>>, vector<16xf32>,
    %get3A_27 = arith.constant 1 : i32
    %get3A_28 = arith.index_cast %get3A_27 : i32 to index
    %get3A_29 = arith.constant 0 : index
    %get3A_30 = tpu.vector_load %arg13[%get3A_28, %get3A_29] {strides = array<i32>} : memref<8x16xf32, #tpu.memory_space<vmem>>, vector<16xf32>,
    %get3A_31 = arith.constant 2 : i32
    %get3A_32 = arith.index_cast %get3A_31 : i32 to index
    %get3A_33 = arith.constant 0 : index
    %get3A_34 = tpu.vector_load %arg13[%get3A_32, %get3A_33] {strides = array<i32>} : memref<8x16xf32, #tpu.memory_space<vmem>>, vector<16xf32>,
    %get3A_35 = arith.constant 3 : i32
    %get3A_36 = arith.index_cast %get3A_35 : i32 to index
    %get3A_37 = arith.constant 0 : index
    %get3A_38 = tpu.vector_load %arg13[%get3A_36, %get3A_37] {strides = array<i32>} : memref<8x16xf32, #tpu.memory_space<vmem>>, vector<16xf32>,
    %get3A_39 = arith.constant 4 : i32
    %get3A_40 = arith.index_cast %get3A_39 : i32 to index
    %get3A_41 = arith.constant 0 : index
    %get3A_42 = tpu.vector_load %arg13[%get3A_40, %get3A_41] {strides = array<i32>} : memref<8x16xf32, #tpu.memory_space<vmem>>, vector<16xf32>,
    %get3A_43 = arith.constant 5 : i32
    %get3A_44 = arith.index_cast %get3A_43 : i32 to index
    %get3A_45 = arith.constant 0 : index
    %get3A_46 = tpu.vector_load %arg13[%get3A_44, %get3A_45] {strides = array<i32>} : memref<8x16xf32, #tpu.memory_space<vmem>>, vector<16xf32>,
    %get3A_47 = arith.constant 6 : i32
    %get3A_48 = arith.index_cast %get3A_47 : i32 to index
    %get3A_49 = arith.constant 0 : index
    %get3A_50 = tpu.vector_load %arg13[%get3A_48, %get3A_49] {strides = array<i32>} : memref<8x16xf32, #tpu.memory_space<vmem>>, vector<16xf32>,
    %get3A_51 = arith.constant 7 : i32
    %get3A_52 = arith.index_cast %get3A_51 : i32 to index
    %get3A_53 = arith.constant 0 : index
    %get3A_54 = tpu.vector_load %arg13[%get3A_52, %get3A_53] {strides = array<i32>} : memref<8x16xf32, #tpu.memory_space<vmem>>, vector<16xf32>,
    %get3A_55 = arith.constant 0 : i32
    %get3A_56 = arith.index_cast %get3A_55 : i32 to index
    %get3A_57 = arith.constant 0 : index
    %get3A_58 = tpu.vector_load %arg14[%get3A_56, %get3A_57] {strides = array<i32>} : memref<8x16xf32, #tpu.memory_space<vmem>>, vector<16xf32>,
    %get3A_59 = arith.constant 1 : i32
    %get3A_60 = arith.index_cast %get3A_59 : i32 to index
    %get3A_61 = arith.constant 0 : index
    %get3A_62 = tpu.vector_load %arg14[%get3A_60, %get3A_61] {strides = array<i32>} : memref<8x16xf32, #tpu.memory_space<vmem>>, vector<16xf32>,
    %get3A_63 = arith.constant 2 : i32
    %get3A_64 = arith.index_cast %get3A_63 : i32 to index
    %get3A_65 = arith.constant 0 : index
    %get3A_66 = tpu.vector_load %arg14[%get3A_64, %get3A_65] {strides = array<i32>} : memref<8x16xf32, #tpu.memory_space<vmem>>, vector<16xf32>,
    %get3A_67 = arith.constant 3 : i32
    %get3A_68 = arith.index_cast %get3A_67 : i32 to index
    %get3A_69 = arith.constant 0 : index
    %get3A_70 = tpu.vector_load %arg14[%get3A_68, %get3A_69] {strides = array<i32>} : memref<8x16xf32, #tpu.memory_space<vmem>>, vector<16xf32>,
    %get3A_71 = arith.constant 4 : i32
    %get3A_72 = arith.index_cast %get3A_71 : i32 to index
    %get3A_73 = arith.constant 0 : index
    %get3A_74 = tpu.vector_load %arg14[%get3A_72, %get3A_73] {strides = array<i32>} : memref<8x16xf32, #tpu.memory_space<vmem>>, vector<16xf32>,
    %get3A_75 = arith.constant 5 : i32
    %get3A_76 = arith.index_cast %get3A_75 : i32 to index
    %get3A_77 = arith.constant 0 : index
    %get3A_78 = tpu.vector_load %arg14[%get3A_76, %get3A_77] {strides = array<i32>} : memref<8x16xf32, #tpu.memory_space<vmem>>, vector<16xf32>,
    %get3A_79 = arith.constant 6 : i32
    %get3A_80 = arith.index_cast %get3A_79 : i32 to index
    %get3A_81 = arith.constant 0 : index
    %get3A_82 = tpu.vector_load %arg14[%get3A_80, %get3A_81] {strides = array<i32>} : memref<8x16xf32, #tpu.memory_space<vmem>>, vector<16xf32>,
    %get3A_83 = arith.constant 7 : i32
    %get3A_84 = arith.index_cast %get3A_83 : i32 to index
    %get3A_85 = arith.constant 0 : index
    %get3A_86 = tpu.vector_load %arg14[%get3A_84, %get3A_85] {strides = array<i32>} : memref<8x16xf32, #tpu.memory_space<vmem>>, vector<16xf32>,
    %iota3A = tpu.iota {dimensions = array<i32: 0>} : vector<16xi32>
    %broadcast_in_dim3A = arith.constant 0 : i32
    %broadcast_in_dim3A_87 = vector.broadcast %broadcast_in_dim3A : i32 to vector<16xi32>
    %broadcast_in_dim3A_88 = arith.constant 1 : i32
    %broadcast_in_dim3A_89 = vector.broadcast %broadcast_in_dim3A_88 : i32 to vector<16xi32>
    %broadcast_in_dim3A_90 = arith.constant 2 : i32
    %broadcast_in_dim3A_91 = vector.broadcast %broadcast_in_dim3A_90 : i32 to vector<16xi32>
    %broadcast_in_dim3A_92 = arith.constant 3 : i32
    %broadcast_in_dim3A_93 = vector.broadcast %broadcast_in_dim3A_92 : i32 to vector<16xi32>
    %broadcast_in_dim3A_94 = arith.constant 4 : i32
    %broadcast_in_dim3A_95 = vector.broadcast %broadcast_in_dim3A_94 : i32 to vector<16xi32>
    %broadcast_in_dim3A_96 = arith.constant 5 : i32
    %broadcast_in_dim3A_97 = vector.broadcast %broadcast_in_dim3A_96 : i32 to vector<16xi32>
    %broadcast_in_dim3A_98 = arith.constant 6 : i32
    %broadcast_in_dim3A_99 = vector.broadcast %broadcast_in_dim3A_98 : i32 to vector<16xi32>
    %broadcast_in_dim3A_100 = arith.constant 7 : i32
    %broadcast_in_dim3A_101 = vector.broadcast %broadcast_in_dim3A_100 : i32 to vector<16xi32>
    %broadcast_in_dim3A_102 = arith.constant 8 : i32
    %broadcast_in_dim3A_103 = vector.broadcast %broadcast_in_dim3A_102 : i32 to vector<16xi32>
    %broadcast_in_dim3A_104 = arith.constant 9 : i32
    %broadcast_in_dim3A_105 = vector.broadcast %broadcast_in_dim3A_104 : i32 to vector<16xi32>
    %broadcast_in_dim3A_106 = arith.constant 10 : i32
    %broadcast_in_dim3A_107 = vector.broadcast %broadcast_in_dim3A_106 : i32 to vector<16xi32>
    %broadcast_in_dim3A_108 = arith.constant 11 : i32
    %broadcast_in_dim3A_109 = vector.broadcast %broadcast_in_dim3A_108 : i32 to vector<16xi32>
    %broadcast_in_dim3A_110 = arith.constant 12 : i32
    %broadcast_in_dim3A_111 = vector.broadcast %broadcast_in_dim3A_110 : i32 to vector<16xi32>
    %broadcast_in_dim3A_112 = arith.constant 13 : i32
    %broadcast_in_dim3A_113 = vector.broadcast %broadcast_in_dim3A_112 : i32 to vector<16xi32>
    %broadcast_in_dim3A_114 = arith.constant 14 : i32
    %broadcast_in_dim3A_115 = vector.broadcast %broadcast_in_dim3A_114 : i32 to vector<16xi32>
    %broadcast_in_dim3A_116 = arith.constant 15 : i32
    %broadcast_in_dim3A_117 = vector.broadcast %broadcast_in_dim3A_116 : i32 to vector<16xi32>
    %lt3A = arith.constant 4 : i32
    %lt3A_118 = arith.cmpi slt, %add3A, %lt3A : i32
    %jit3A = arith.constant 1 : i32
    %jit3A_119 = arith.constant 0 : i32
    %select_n3A = arith.select %lt3A_118, %jit3A, %jit3A_119 : i32
    %add3A_120 = arith.constant 78 : i32
    %add3A_121 = arith.addi %add3A_120, %select_n3A : i32
    %mul3A_122 = arith.constant 78 : i32
    %mul3A_123 = arith.muli %add3A, %mul3A_122 : i32
    %min3A = arith.constant 4 : i32
    %min3A_124 = arith.minsi %add3A, %min3A : i32
    %add3A_125 = arith.addi %mul3A_123, %min3A_124 : i32
    %while3A = arith.constant 0 : i32
    %while3A_126 = arith.constant 0 : i32
    %while3A_127 = arith.subi %add3A_121, %while3A : i32
    %while3A_128 = arith.addi %while3A, %while3A_127 : i32
    %while3A_129 = arith.constant 1 : i32
    %while3A_130 = arith.divsi %while3A_127, %while3A_129 : i32
    %while3A_131 = arith.muli %while3A_130, %while3A_129 : i32
    %while3A_132 = arith.addi %while3A, %while3A_131 : i32
    %while3A_133 = arith.constant 1 : i32
    %while3A_134 = scf.for %while3A_142 = %while3A to %while3A_132 step %while3A_133 iter_args(%while3A_143 = %while3A_126) -> (i32)  : i32 {
      %add3A_144 = arith.addi %add3A_125, %while3A_142 : i32
      %dma_start3A = arith.constant 0 : i32
      %dma_start3A_145 = tpu.memref_slice %arg3[%add3A_144, %dma_start3A] : memref<2500x640xi32, #tpu.memory_space<hbm>> -> memref<1x640xi32, #tpu.memory_space<hbm>>
      %dma_start3A_146 = tpu.memref_squeeze %dma_start3A_145 : memref<1x640xi32, #tpu.memory_space<hbm>> -> memref<640xi32, #tpu.memory_space<hbm>>
      %dma_start3A_147 = arith.constant 0 : i32
      %dma_start3A_148 = tpu.memref_slice %arg3[%add3A_144, %dma_start3A_147] : memref<2500x640xi32, #tpu.memory_space<hbm>> -> memref<1x640xi32, #tpu.memory_space<hbm>>
      %dma_start3A_149 = tpu.memref_squeeze %dma_start3A_148 : memref<1x640xi32, #tpu.memory_space<hbm>> -> memref<640xi32, #tpu.memory_space<hbm>>
      tpu.enqueue_dma source(%dma_start3A_149 : memref<640xi32, #tpu.memory_space<hbm>>) target(%arg8 : memref<640xi32, #tpu.memory_space<vmem>>) target_semaphore(%arg17 : memref<!tpu.dma_semaphore, #tpu.memory_space<semaphore_mem>>)
      %dma_start3A_150 = arith.constant 0 : i32
      %dma_start3A_151 = arith.constant 0 : i32
      %dma_start3A_152 = tpu.memref_slice %arg4[%add3A_144, %dma_start3A_150, %dma_start3A_151] : memref<2500x1x640xi32, #tpu.memory_space<hbm>> -> memref<1x1x640xi32, #tpu.memory_space<hbm>>
      %dma_start3A_153 = tpu.memref_squeeze %dma_start3A_152 : memref<1x1x640xi32, #tpu.memory_space<hbm>> -> memref<1x640xi32, #tpu.memory_space<hbm>>
      %dma_start3A_154 = arith.constant 0 : i32
      %dma_start3A_155 = arith.constant 0 : i32
      %dma_start3A_156 = tpu.memref_slice %arg4[%add3A_144, %dma_start3A_154, %dma_start3A_155] : memref<2500x1x640xi32, #tpu.memory_space<hbm>> -> memref<1x1x640xi32, #tpu.memory_space<hbm>>
      %dma_start3A_157 = tpu.memref_squeeze %dma_start3A_156 : memref<1x1x640xi32, #tpu.memory_space<hbm>> -> memref<1x640xi32, #tpu.memory_space<hbm>>
      tpu.enqueue_dma source(%dma_start3A_157 : memref<1x640xi32, #tpu.memory_space<hbm>>) target(%arg9 : memref<1x640xi32, #tpu.memory_space<vmem>>) target_semaphore(%arg17 : memref<!tpu.dma_semaphore, #tpu.memory_space<semaphore_mem>>)
      %dma_wait3A = arith.constant 0 : i32
      %dma_wait3A_158 = tpu.memref_slice %arg3[%add3A_144, %dma_wait3A] : memref<2500x640xi32, #tpu.memory_space<hbm>> -> memref<1x640xi32, #tpu.memory_space<hbm>>
      %dma_wait3A_159 = tpu.memref_squeeze %dma_wait3A_158 : memref<1x640xi32, #tpu.memory_space<hbm>> -> memref<640xi32, #tpu.memory_space<hbm>>
      %dma_wait3A_160 = arith.constant 0 : i32
      %dma_wait3A_161 = tpu.memref_slice %arg3[%add3A_144, %dma_wait3A_160] : memref<2500x640xi32, #tpu.memory_space<hbm>> -> memref<1x640xi32, #tpu.memory_space<hbm>>
      %dma_wait3A_162 = tpu.memref_squeeze %dma_wait3A_161 : memref<1x640xi32, #tpu.memory_space<hbm>> -> memref<640xi32, #tpu.memory_space<hbm>>
      tpu.wait_dma2 semaphore(%arg17 : memref<!tpu.dma_semaphore, #tpu.memory_space<semaphore_mem>>) src(%dma_wait3A_162 : memref<640xi32, #tpu.memory_space<hbm>>) dst(%arg8 : memref<640xi32, #tpu.memory_space<vmem>>)
      %dma_wait3A_163 = arith.constant 0 : i32
      %dma_wait3A_164 = arith.constant 0 : i32
      %dma_wait3A_165 = tpu.memref_slice %arg4[%add3A_144, %dma_wait3A_163, %dma_wait3A_164] : memref<2500x1x640xi32, #tpu.memory_space<hbm>> -> memref<1x1x640xi32, #tpu.memory_space<hbm>>
      %dma_wait3A_166 = tpu.memref_squeeze %dma_wait3A_165 : memref<1x1x640xi32, #tpu.memory_space<hbm>> -> memref<1x640xi32, #tpu.memory_space<hbm>>
      %dma_wait3A_167 = arith.constant 0 : i32
      %dma_wait3A_168 = arith.constant 0 : i32
      %dma_wait3A_169 = tpu.memref_slice %arg4[%add3A_144, %dma_wait3A_167, %dma_wait3A_168] : memref<2500x1x640xi32, #tpu.memory_space<hbm>> -> memref<1x1x640xi32, #tpu.memory_space<hbm>>
      %dma_wait3A_170 = tpu.memref_squeeze %dma_wait3A_169 : memref<1x1x640xi32, #tpu.memory_space<hbm>> -> memref<1x640xi32, #tpu.memory_space<hbm>>
      tpu.wait_dma2 semaphore(%arg17 : memref<!tpu.dma_semaphore, #tpu.memory_space<semaphore_mem>>) src(%dma_wait3A_170 : memref<1x640xi32, #tpu.memory_space<hbm>>) dst(%arg9 : memref<1x640xi32, #tpu.memory_space<vmem>>)
      %dma_start3A_171 = arith.constant 0 : i32
      %dma_start3A_172 = tpu.memref_slice %arg10[%dma_start3A_171] : memref<640xf32, #tpu.memory_space<vmem>> -> memref<640xf32, #tpu.memory_space<vmem>>
      %dma_start3A_173 = arith.constant 0 : i32
      %dma_start3A_174 = tpu.memref_slice %arg8[%dma_start3A_173] : memref<640xi32, #tpu.memory_space<vmem>> -> memref<640xi32, #tpu.memory_space<vmem>>
      %dma_start3A_175 = arith.constant 0 : i32
      %dma_start3A_176 = tpu.memref_slice %arg16[%dma_start3A_175] : memref<100000xf32, #tpu.memory_space<vmem_shared>> -> memref<100000xf32, #tpu.memory_space<vmem_shared>>
      tpu.enqueue_indirect_dma source(%dma_start3A_176 : memref<100000xf32, #tpu.memory_space<vmem_shared>>) target(%dma_start3A_172 : memref<640xf32, #tpu.memory_space<vmem>>) offsets(%dma_start3A_174 : memref<640xi32, #tpu.memory_space<vmem>>) semaphore(%arg18 : memref<!tpu.dma_semaphore, #tpu.memory_space<semaphore_mem>>)
      %dma_start3A_177 = arith.constant 0 : i32
      %dma_start3A_178 = arith.constant 0 : i32
      %dma_start3A_179 = tpu.memref_slice %arg11[%dma_start3A_178] : memref<640xf32, #tpu.memory_space<vmem>> -> memref<640xf32, #tpu.memory_space<vmem>>
      %dma_start3A_180 = arith.constant 0 : i32
      %dma_start3A_181 = tpu.memref_slice %arg9[%dma_start3A_177, %dma_start3A_180] : memref<1x640xi32, #tpu.memory_space<vmem>> -> memref<1x640xi32, #tpu.memory_space<vmem>>
      %dma_start3A_182 = tpu.memref_squeeze %dma_start3A_181 : memref<1x640xi32, #tpu.memory_space<vmem>> -> memref<640xi32, #tpu.memory_space<vmem>>
      %dma_start3A_183 = arith.constant 0 : i32
      %dma_start3A_184 = tpu.memref_slice %arg16[%dma_start3A_183] : memref<100000xf32, #tpu.memory_space<vmem_shared>> -> memref<100000xf32, #tpu.memory_space<vmem_shared>>
      tpu.enqueue_indirect_dma source(%dma_start3A_184 : memref<100000xf32, #tpu.memory_space<vmem_shared>>) target(%dma_start3A_179 : memref<640xf32, #tpu.memory_space<vmem>>) offsets(%dma_start3A_182 : memref<640xi32, #tpu.memory_space<vmem>>) semaphore(%arg18 : memref<!tpu.dma_semaphore, #tpu.memory_space<semaphore_mem>>)
      %dma_wait3A_185 = arith.constant 0 : i32
      %dma_wait3A_186 = tpu.memref_slice %arg10[%dma_wait3A_185] : memref<640xf32, #tpu.memory_space<vmem>> -> memref<640xf32, #tpu.memory_space<vmem>>
      %dma_wait3A_187 = arith.constant 0 : i32
      %dma_wait3A_188 = tpu.memref_slice %arg8[%dma_wait3A_187] : memref<640xi32, #tpu.memory_space<vmem>> -> memref<640xi32, #tpu.memory_space<vmem>>
      %dma_wait3A_189 = arith.constant 0 : i32
      %dma_wait3A_190 = tpu.memref_slice %arg16[%dma_wait3A_189] : memref<100000xf32, #tpu.memory_space<vmem_shared>> -> memref<100000xf32, #tpu.memory_space<vmem_shared>>
      tpu.wait_indirect_dma semaphore(%arg18 : memref<!tpu.dma_semaphore, #tpu.memory_space<semaphore_mem>>) src(%dma_wait3A_190 : memref<100000xf32, #tpu.memory_space<vmem_shared>>) dst(%dma_wait3A_186 : memref<640xf32, #tpu.memory_space<vmem>>)
      %dma_wait3A_191 = arith.constant 0 : i32
      %dma_wait3A_192 = arith.constant 0 : i32
      %dma_wait3A_193 = tpu.memref_slice %arg11[%dma_wait3A_192] : memref<640xf32, #tpu.memory_space<vmem>> -> memref<640xf32, #tpu.memory_space<vmem>>
      %dma_wait3A_194 = arith.constant 0 : i32
      %dma_wait3A_195 = tpu.memref_slice %arg9[%dma_wait3A_191, %dma_wait3A_194] : memref<1x640xi32, #tpu.memory_space<vmem>> -> memref<1x640xi32, #tpu.memory_space<vmem>>
      %dma_wait3A_196 = tpu.memref_squeeze %dma_wait3A_195 : memref<1x640xi32, #tpu.memory_space<vmem>> -> memref<640xi32, #tpu.memory_space<vmem>>
      %dma_wait3A_197 = arith.constant 0 : i32
      %dma_wait3A_198 = tpu.memref_slice %arg16[%dma_wait3A_197] : memref<100000xf32, #tpu.memory_space<vmem_shared>> -> memref<100000xf32, #tpu.memory_space<vmem_shared>>
      tpu.wait_indirect_dma semaphore(%arg18 : memref<!tpu.dma_semaphore, #tpu.memory_space<semaphore_mem>>) src(%dma_wait3A_198 : memref<100000xf32, #tpu.memory_space<vmem_shared>>) dst(%dma_wait3A_193 : memref<640xf32, #tpu.memory_space<vmem>>)
      %scan3A_199 = arith.constant 0 : i32
      %scan3A_200 = arith.constant 0 : i32
      %scan3A_201 = arith.constant 40 : i32
      %scan3A_202 = arith.addi %scan3A_200, %scan3A_201 : i32
      %scan3A_203 = arith.constant 1 : i32
      %scan3A_204 = scf.for %scan3A_223 = %scan3A_200 to %scan3A_202 step %scan3A_203 iter_args(%scan3A_224 = %scan3A_199) -> (i32)  : i32 {
        %mul3A_225 = arith.constant 16 : i32
        %mul3A_226 = arith.muli %scan3A_223, %mul3A_225 : i32
        %get3A_227 = arith.index_cast %mul3A_226 : i32 to index
        %get3A_228 = tpu.vector_load %arg10[%get3A_227] {strides = array<i32>} : memref<640xf32, #tpu.memory_space<vmem>>, vector<16xf32>,
        %mul3A_229 = arith.constant 16 : i32
        %mul3A_230 = arith.muli %scan3A_223, %mul3A_229 : i32
        %get3A_231 = arith.index_cast %mul3A_230 : i32 to index
        %get3A_232 = tpu.vector_load %arg11[%get3A_231] {strides = array<i32>} : memref<640xf32, #tpu.memory_space<vmem>>, vector<16xf32>,
        %mul3A_233 = arith.constant 16 : i32
        %mul3A_234 = arith.muli %scan3A_223, %mul3A_233 : i32
        %add3A_235 = vector.broadcast %mul3A_234 : i32 to vector<16xi32>
        %add3A_236 = arith.addi %iota3A, %add3A_235 : vector<16xi32>
        %mul3A_237 = arith.mulf %get3A_228, %get3A_26 : vector<16xf32>
        %mul3A_238 = arith.mulf %get3A_232, %get3A_58 : vector<16xf32>
        %add3A_239 = arith.addf %mul3A_237, %mul3A_238 : vector<16xf32>
        %mul3A_240 = arith.constant 2.000000e-01 : f32
        %mul3A_241 = vector.broadcast %mul3A_240 : f32 to vector<16xf32>
        %mul3A_242 = arith.mulf %add3A_239, %mul3A_241 : vector<16xf32>
        %max3A = arith.maximumf %add3A_239, %mul3A_242 : vector<16xf32>
        %exp3A = math.exp %max3A : vector<16xf32>
        tpu.vector_store_idx %arg12[%add3A_236, %broadcast_in_dim3A_87], %exp3A : memref<640x16xf32, #tpu.memory_space<vmem>>[vector<16xi32>, vector<16xi32>], vector<16xf32>,
        %mul3A_243 = arith.mulf %exp3A, %get3A_228 : vector<16xf32>
        tpu.vector_store_idx %arg12[%add3A_236, %broadcast_in_dim3A_103], %mul3A_243 : memref<640x16xf32, #tpu.memory_space<vmem>>[vector<16xi32>, vector<16xi32>], vector<16xf32>,
        %mul3A_244 = arith.mulf %get3A_228, %get3A_30 : vector<16xf32>
        %mul3A_245 = arith.mulf %get3A_232, %get3A_62 : vector<16xf32>
        %add3A_246 = arith.addf %mul3A_244, %mul3A_245 : vector<16xf32>
        %mul3A_247 = arith.constant 2.000000e-01 : f32
        %mul3A_248 = vector.broadcast %mul3A_247 : f32 to vector<16xf32>
        %mul3A_249 = arith.mulf %add3A_246, %mul3A_248 : vector<16xf32>
        %max3A_250 = arith.maximumf %add3A_246, %mul3A_249 : vector<16xf32>
        %exp3A_251 = math.exp %max3A_250 : vector<16xf32>
        tpu.vector_store_idx %arg12[%add3A_236, %broadcast_in_dim3A_89], %exp3A_251 : memref<640x16xf32, #tpu.memory_space<vmem>>[vector<16xi32>, vector<16xi32>], vector<16xf32>,
        %mul3A_252 = arith.mulf %exp3A_251, %get3A_228 : vector<16xf32>
        tpu.vector_store_idx %arg12[%add3A_236, %broadcast_in_dim3A_105], %mul3A_252 : memref<640x16xf32, #tpu.memory_space<vmem>>[vector<16xi32>, vector<16xi32>], vector<16xf32>,
        %mul3A_253 = arith.mulf %get3A_228, %get3A_34 : vector<16xf32>
        %mul3A_254 = arith.mulf %get3A_232, %get3A_66 : vector<16xf32>
        %add3A_255 = arith.addf %mul3A_253, %mul3A_254 : vector<16xf32>
        %mul3A_256 = arith.constant 2.000000e-01 : f32
        %mul3A_257 = vector.broadcast %mul3A_256 : f32 to vector<16xf32>
        %mul3A_258 = arith.mulf %add3A_255, %mul3A_257 : vector<16xf32>
        %max3A_259 = arith.maximumf %add3A_255, %mul3A_258 : vector<16xf32>
        %exp3A_260 = math.exp %max3A_259 : vector<16xf32>
        tpu.vector_store_idx %arg12[%add3A_236, %broadcast_in_dim3A_91], %exp3A_260 : memref<640x16xf32, #tpu.memory_space<vmem>>[vector<16xi32>, vector<16xi32>], vector<16xf32>,
        %mul3A_261 = arith.mulf %exp3A_260, %get3A_228 : vector<16xf32>
        tpu.vector_store_idx %arg12[%add3A_236, %broadcast_in_dim3A_107], %mul3A_261 : memref<640x16xf32, #tpu.memory_space<vmem>>[vector<16xi32>, vector<16xi32>], vector<16xf32>,
        %mul3A_262 = arith.mulf %get3A_228, %get3A_38 : vector<16xf32>
        %mul3A_263 = arith.mulf %get3A_232, %get3A_70 : vector<16xf32>
        %add3A_264 = arith.addf %mul3A_262, %mul3A_263 : vector<16xf32>
        %mul3A_265 = arith.constant 2.000000e-01 : f32
        %mul3A_266 = vector.broadcast %mul3A_265 : f32 to vector<16xf32>
        %mul3A_267 = arith.mulf %add3A_264, %mul3A_266 : vector<16xf32>
        %max3A_268 = arith.maximumf %add3A_264, %mul3A_267 : vector<16xf32>
        %exp3A_269 = math.exp %max3A_268 : vector<16xf32>
        tpu.vector_store_idx %arg12[%add3A_236, %broadcast_in_dim3A_93], %exp3A_269 : memref<640x16xf32, #tpu.memory_space<vmem>>[vector<16xi32>, vector<16xi32>], vector<16xf32>,
        %mul3A_270 = arith.mulf %exp3A_269, %get3A_228 : vector<16xf32>
        tpu.vector_store_idx %arg12[%add3A_236, %broadcast_in_dim3A_109], %mul3A_270 : memref<640x16xf32, #tpu.memory_space<vmem>>[vector<16xi32>, vector<16xi32>], vector<16xf32>,
        %mul3A_271 = arith.mulf %get3A_228, %get3A_42 : vector<16xf32>
        %mul3A_272 = arith.mulf %get3A_232, %get3A_74 : vector<16xf32>
        %add3A_273 = arith.addf %mul3A_271, %mul3A_272 : vector<16xf32>
        %mul3A_274 = arith.constant 2.000000e-01 : f32
        %mul3A_275 = vector.broadcast %mul3A_274 : f32 to vector<16xf32>
        %mul3A_276 = arith.mulf %add3A_273, %mul3A_275 : vector<16xf32>
        %max3A_277 = arith.maximumf %add3A_273, %mul3A_276 : vector<16xf32>
        %exp3A_278 = math.exp %max3A_277 : vector<16xf32>
        tpu.vector_store_idx %arg12[%add3A_236, %broadcast_in_dim3A_95], %exp3A_278 : memref<640x16xf32, #tpu.memory_space<vmem>>[vector<16xi32>, vector<16xi32>], vector<16xf32>,
        %mul3A_279 = arith.mulf %exp3A_278, %get3A_228 : vector<16xf32>
        tpu.vector_store_idx %arg12[%add3A_236, %broadcast_in_dim3A_111], %mul3A_279 : memref<640x16xf32, #tpu.memory_space<vmem>>[vector<16xi32>, vector<16xi32>], vector<16xf32>,
        %mul3A_280 = arith.mulf %get3A_228, %get3A_46 : vector<16xf32>
        %mul3A_281 = arith.mulf %get3A_232, %get3A_78 : vector<16xf32>
        %add3A_282 = arith.addf %mul3A_280, %mul3A_281 : vector<16xf32>
        %mul3A_283 = arith.constant 2.000000e-01 : f32
        %mul3A_284 = vector.broadcast %mul3A_283 : f32 to vector<16xf32>
        %mul3A_285 = arith.mulf %add3A_282, %mul3A_284 : vector<16xf32>
        %max3A_286 = arith.maximumf %add3A_282, %mul3A_285 : vector<16xf32>
        %exp3A_287 = math.exp %max3A_286 : vector<16xf32>
        tpu.vector_store_idx %arg12[%add3A_236, %broadcast_in_dim3A_97], %exp3A_287 : memref<640x16xf32, #tpu.memory_space<vmem>>[vector<16xi32>, vector<16xi32>], vector<16xf32>,
        %mul3A_288 = arith.mulf %exp3A_287, %get3A_228 : vector<16xf32>
        tpu.vector_store_idx %arg12[%add3A_236, %broadcast_in_dim3A_113], %mul3A_288 : memref<640x16xf32, #tpu.memory_space<vmem>>[vector<16xi32>, vector<16xi32>], vector<16xf32>,
        %mul3A_289 = arith.mulf %get3A_228, %get3A_50 : vector<16xf32>
        %mul3A_290 = arith.mulf %get3A_232, %get3A_82 : vector<16xf32>
        %add3A_291 = arith.addf %mul3A_289, %mul3A_290 : vector<16xf32>
        %mul3A_292 = arith.constant 2.000000e-01 : f32
        %mul3A_293 = vector.broadcast %mul3A_292 : f32 to vector<16xf32>
        %mul3A_294 = arith.mulf %add3A_291, %mul3A_293 : vector<16xf32>
        %max3A_295 = arith.maximumf %add3A_291, %mul3A_294 : vector<16xf32>
        %exp3A_296 = math.exp %max3A_295 : vector<16xf32>
        tpu.vector_store_idx %arg12[%add3A_236, %broadcast_in_dim3A_99], %exp3A_296 : memref<640x16xf32, #tpu.memory_space<vmem>>[vector<16xi32>, vector<16xi32>], vector<16xf32>,
        %mul3A_297 = arith.mulf %exp3A_296, %get3A_228 : vector<16xf32>
        tpu.vector_store_idx %arg12[%add3A_236, %broadcast_in_dim3A_115], %mul3A_297 : memref<640x16xf32, #tpu.memory_space<vmem>>[vector<16xi32>, vector<16xi32>], vector<16xf32>,
        %mul3A_298 = arith.mulf %get3A_228, %get3A_54 : vector<16xf32>
        %mul3A_299 = arith.mulf %get3A_232, %get3A_86 : vector<16xf32>
        %add3A_300 = arith.addf %mul3A_298, %mul3A_299 : vector<16xf32>
        %mul3A_301 = arith.constant 2.000000e-01 : f32
        %mul3A_302 = vector.broadcast %mul3A_301 : f32 to vector<16xf32>
        %mul3A_303 = arith.mulf %add3A_300, %mul3A_302 : vector<16xf32>
        %max3A_304 = arith.maximumf %add3A_300, %mul3A_303 : vector<16xf32>
        %exp3A_305 = math.exp %max3A_304 : vector<16xf32>
        tpu.vector_store_idx %arg12[%add3A_236, %broadcast_in_dim3A_101], %exp3A_305 : memref<640x16xf32, #tpu.memory_space<vmem>>[vector<16xi32>, vector<16xi32>], vector<16xf32>,
        %mul3A_306 = arith.mulf %exp3A_305, %get3A_228 : vector<16xf32>
        tpu.vector_store_idx %arg12[%add3A_236, %broadcast_in_dim3A_117], %mul3A_306 : memref<640x16xf32, #tpu.memory_space<vmem>>[vector<16xi32>, vector<16xi32>], vector<16xf32>,
        %scan3A_307 = arith.constant 0 : i32
        scf.yield %scan3A_307 : i32
      }
      %scan3A_205 = arith.constant 40 : i32
      %dma_start3A_206 = arith.constant 0 : i32
      %dma_start3A_207 = arith.constant 0 : i32
      %dma_start3A_208 = arith.constant 0 : i32
      %dma_start3A_209 = tpu.memref_slice %arg12[%dma_start3A_207, %dma_start3A_208] : memref<640x16xf32, #tpu.memory_space<vmem>> -> memref<640x16xf32, #tpu.memory_space<vmem>>
      %dma_start3A_210 = arith.constant 0 : i32
      %dma_start3A_211 = tpu.memref_slice %arg9[%dma_start3A_206, %dma_start3A_210] : memref<1x640xi32, #tpu.memory_space<vmem>> -> memref<1x640xi32, #tpu.memory_space<vmem>>
      %dma_start3A_212 = tpu.memref_squeeze %dma_start3A_211 : memref<1x640xi32, #tpu.memory_space<vmem>> -> memref<640xi32, #tpu.memory_space<vmem>>
      %dma_start3A_213 = arith.constant 0 : i32
      %dma_start3A_214 = arith.constant 0 : i32
      %dma_start3A_215 = tpu.memref_slice %arg15[%dma_start3A_213, %dma_start3A_214] : memref<100000x16xf32, #tpu.memory_space<vmem_shared>> -> memref<100000x16xf32, #tpu.memory_space<vmem_shared>>
      tpu.enqueue_indirect_dma source(%dma_start3A_209 : memref<640x16xf32, #tpu.memory_space<vmem>>) target(%dma_start3A_215 : memref<100000x16xf32, #tpu.memory_space<vmem_shared>>) offsets(%dma_start3A_212 : memref<640xi32, #tpu.memory_space<vmem>>) semaphore(%arg19 : memref<!tpu.dma_semaphore, #tpu.memory_space<semaphore_mem>>) {add = true}
      %dma_wait3A_216 = arith.constant 0 : i32
      %dma_wait3A_217 = arith.constant 0 : i32
      %dma_wait3A_218 = tpu.memref_slice %arg15[%dma_wait3A_216, %dma_wait3A_217] : memref<100000x16xf32, #tpu.memory_space<vmem_shared>> -> memref<640x16xf32, #tpu.memory_space<vmem_shared>>
      %dma_wait3A_219 = arith.constant 0 : i32
      %dma_wait3A_220 = arith.constant 0 : i32
      %dma_wait3A_221 = tpu.memref_slice %arg15[%dma_wait3A_219, %dma_wait3A_220] : memref<100000x16xf32, #tpu.memory_space<vmem_shared>> -> memref<640x16xf32, #tpu.memory_space<vmem_shared>>
      tpu.wait_dma2 semaphore(%arg19 : memref<!tpu.dma_semaphore, #tpu.memory_space<semaphore_mem>>) src(%arg12 : memref<640x16xf32, #tpu.memory_space<vmem>>) dst(%dma_wait3A_221 : memref<640x16xf32, #tpu.memory_space<vmem_shared>>)
      %while3A_222 = arith.constant 0 : i32
      scf.yield %while3A_222 : i32
    }
    %while3A_135 = arith.constant 1 : i32
    %while3A_136 = scf.for %while3A_142 = %while3A_132 to %while3A_128 step %while3A_135 iter_args(%while3A_143 = %while3A_134) -> (i32)  : i32 {
      %add3A_144 = arith.addi %add3A_125, %while3A_142 : i32
      %dma_start3A = arith.constant 0 : i32
      %dma_start3A_145 = tpu.memref_slice %arg3[%add3A_144, %dma_start3A] : memref<2500x640xi32, #tpu.memory_space<hbm>> -> memref<1x640xi32, #tpu.memory_space<hbm>>
      %dma_start3A_146 = tpu.memref_squeeze %dma_start3A_145 : memref<1x640xi32, #tpu.memory_space<hbm>> -> memref<640xi32, #tpu.memory_space<hbm>>
      %dma_start3A_147 = arith.constant 0 : i32
      %dma_start3A_148 = tpu.memref_slice %arg3[%add3A_144, %dma_start3A_147] : memref<2500x640xi32, #tpu.memory_space<hbm>> -> memref<1x640xi32, #tpu.memory_space<hbm>>
      %dma_start3A_149 = tpu.memref_squeeze %dma_start3A_148 : memref<1x640xi32, #tpu.memory_space<hbm>> -> memref<640xi32, #tpu.memory_space<hbm>>
      tpu.enqueue_dma source(%dma_start3A_149 : memref<640xi32, #tpu.memory_space<hbm>>) target(%arg8 : memref<640xi32, #tpu.memory_space<vmem>>) target_semaphore(%arg17 : memref<!tpu.dma_semaphore, #tpu.memory_space<semaphore_mem>>)
      %dma_start3A_150 = arith.constant 0 : i32
      %dma_start3A_151 = arith.constant 0 : i32
      %dma_start3A_152 = tpu.memref_slice %arg4[%add3A_144, %dma_start3A_150, %dma_start3A_151] : memref<2500x1x640xi32, #tpu.memory_space<hbm>> -> memref<1x1x640xi32, #tpu.memory_space<hbm>>
      %dma_start3A_153 = tpu.memref_squeeze %dma_start3A_152 : memref<1x1x640xi32, #tpu.memory_space<hbm>> -> memref<1x640xi32, #tpu.memory_space<hbm>>
      %dma_start3A_154 = arith.constant 0 : i32
      %dma_start3A_155 = arith.constant 0 : i32
      %dma_start3A_156 = tpu.memref_slice %arg4[%add3A_144, %dma_start3A_154, %dma_start3A_155] : memref<2500x1x640xi32, #tpu.memory_space<hbm>> -> memref<1x1x640xi32, #tpu.memory_space<hbm>>
      %dma_start3A_157 = tpu.memref_squeeze %dma_start3A_156 : memref<1x1x640xi32, #tpu.memory_space<hbm>> -> memref<1x640xi32, #tpu.memory_space<hbm>>
      tpu.enqueue_dma source(%dma_start3A_157 : memref<1x640xi32, #tpu.memory_space<hbm>>) target(%arg9 : memref<1x640xi32, #tpu.memory_space<vmem>>) target_semaphore(%arg17 : memref<!tpu.dma_semaphore, #tpu.memory_space<semaphore_mem>>)
      %dma_wait3A = arith.constant 0 : i32
      %dma_wait3A_158 = tpu.memref_slice %arg3[%add3A_144, %dma_wait3A] : memref<2500x640xi32, #tpu.memory_space<hbm>> -> memref<1x640xi32, #tpu.memory_space<hbm>>
      %dma_wait3A_159 = tpu.memref_squeeze %dma_wait3A_158 : memref<1x640xi32, #tpu.memory_space<hbm>> -> memref<640xi32, #tpu.memory_space<hbm>>
      %dma_wait3A_160 = arith.constant 0 : i32
      %dma_wait3A_161 = tpu.memref_slice %arg3[%add3A_144, %dma_wait3A_160] : memref<2500x640xi32, #tpu.memory_space<hbm>> -> memref<1x640xi32, #tpu.memory_space<hbm>>
      %dma_wait3A_162 = tpu.memref_squeeze %dma_wait3A_161 : memref<1x640xi32, #tpu.memory_space<hbm>> -> memref<640xi32, #tpu.memory_space<hbm>>
      tpu.wait_dma2 semaphore(%arg17 : memref<!tpu.dma_semaphore, #tpu.memory_space<semaphore_mem>>) src(%dma_wait3A_162 : memref<640xi32, #tpu.memory_space<hbm>>) dst(%arg8 : memref<640xi32, #tpu.memory_space<vmem>>)
      %dma_wait3A_163 = arith.constant 0 : i32
      %dma_wait3A_164 = arith.constant 0 : i32
      %dma_wait3A_165 = tpu.memref_slice %arg4[%add3A_144, %dma_wait3A_163, %dma_wait3A_164] : memref<2500x1x640xi32, #tpu.memory_space<hbm>> -> memref<1x1x640xi32, #tpu.memory_space<hbm>>
      %dma_wait3A_166 = tpu.memref_squeeze %dma_wait3A_165 : memref<1x1x640xi32, #tpu.memory_space<hbm>> -> memref<1x640xi32, #tpu.memory_space<hbm>>
      %dma_wait3A_167 = arith.constant 0 : i32
      %dma_wait3A_168 = arith.constant 0 : i32
      %dma_wait3A_169 = tpu.memref_slice %arg4[%add3A_144, %dma_wait3A_167, %dma_wait3A_168] : memref<2500x1x640xi32, #tpu.memory_space<hbm>> -> memref<1x1x640xi32, #tpu.memory_space<hbm>>
      %dma_wait3A_170 = tpu.memref_squeeze %dma_wait3A_169 : memref<1x1x640xi32, #tpu.memory_space<hbm>> -> memref<1x640xi32, #tpu.memory_space<hbm>>
      tpu.wait_dma2 semaphore(%arg17 : memref<!tpu.dma_semaphore, #tpu.memory_space<semaphore_mem>>) src(%dma_wait3A_170 : memref<1x640xi32, #tpu.memory_space<hbm>>) dst(%arg9 : memref<1x640xi32, #tpu.memory_space<vmem>>)
      %dma_start3A_171 = arith.constant 0 : i32
      %dma_start3A_172 = tpu.memref_slice %arg10[%dma_start3A_171] : memref<640xf32, #tpu.memory_space<vmem>> -> memref<640xf32, #tpu.memory_space<vmem>>
      %dma_start3A_173 = arith.constant 0 : i32
      %dma_start3A_174 = tpu.memref_slice %arg8[%dma_start3A_173] : memref<640xi32, #tpu.memory_space<vmem>> -> memref<640xi32, #tpu.memory_space<vmem>>
      %dma_start3A_175 = arith.constant 0 : i32
      %dma_start3A_176 = tpu.memref_slice %arg16[%dma_start3A_175] : memref<100000xf32, #tpu.memory_space<vmem_shared>> -> memref<100000xf32, #tpu.memory_space<vmem_shared>>
      tpu.enqueue_indirect_dma source(%dma_start3A_176 : memref<100000xf32, #tpu.memory_space<vmem_shared>>) target(%dma_start3A_172 : memref<640xf32, #tpu.memory_space<vmem>>) offsets(%dma_start3A_174 : memref<640xi32, #tpu.memory_space<vmem>>) semaphore(%arg18 : memref<!tpu.dma_semaphore, #tpu.memory_space<semaphore_mem>>)
      %dma_start3A_177 = arith.constant 0 : i32
      %dma_start3A_178 = arith.constant 0 : i32
      %dma_start3A_179 = tpu.memref_slice %arg11[%dma_start3A_178] : memref<640xf32, #tpu.memory_space<vmem>> -> memref<640xf32, #tpu.memory_space<vmem>>
      %dma_start3A_180 = arith.constant 0 : i32
      %dma_start3A_181 = tpu.memref_slice %arg9[%dma_start3A_177, %dma_start3A_180] : memref<1x640xi32, #tpu.memory_space<vmem>> -> memref<1x640xi32, #tpu.memory_space<vmem>>
      %dma_start3A_182 = tpu.memref_squeeze %dma_start3A_181 : memref<1x640xi32, #tpu.memory_space<vmem>> -> memref<640xi32, #tpu.memory_space<vmem>>
      %dma_start3A_183 = arith.constant 0 : i32
      %dma_start3A_184 = tpu.memref_slice %arg16[%dma_start3A_183] : memref<100000xf32, #tpu.memory_space<vmem_shared>> -> memref<100000xf32, #tpu.memory_space<vmem_shared>>
      tpu.enqueue_indirect_dma source(%dma_start3A_184 : memref<100000xf32, #tpu.memory_space<vmem_shared>>) target(%dma_start3A_179 : memref<640xf32, #tpu.memory_space<vmem>>) offsets(%dma_start3A_182 : memref<640xi32, #tpu.memory_space<vmem>>) semaphore(%arg18 : memref<!tpu.dma_semaphore, #tpu.memory_space<semaphore_mem>>)
      %dma_wait3A_185 = arith.constant 0 : i32
      %dma_wait3A_186 = tpu.memref_slice %arg10[%dma_wait3A_185] : memref<640xf32, #tpu.memory_space<vmem>> -> memref<640xf32, #tpu.memory_space<vmem>>
      %dma_wait3A_187 = arith.constant 0 : i32
      %dma_wait3A_188 = tpu.memref_slice %arg8[%dma_wait3A_187] : memref<640xi32, #tpu.memory_space<vmem>> -> memref<640xi32, #tpu.memory_space<vmem>>
      %dma_wait3A_189 = arith.constant 0 : i32
      %dma_wait3A_190 = tpu.memref_slice %arg16[%dma_wait3A_189] : memref<100000xf32, #tpu.memory_space<vmem_shared>> -> memref<100000xf32, #tpu.memory_space<vmem_shared>>
      tpu.wait_indirect_dma semaphore(%arg18 : memref<!tpu.dma_semaphore, #tpu.memory_space<semaphore_mem>>) src(%dma_wait3A_190 : memref<100000xf32, #tpu.memory_space<vmem_shared>>) dst(%dma_wait3A_186 : memref<640xf32, #tpu.memory_space<vmem>>)
      %dma_wait3A_191 = arith.constant 0 : i32
      %dma_wait3A_192 = arith.constant 0 : i32
      %dma_wait3A_193 = tpu.memref_slice %arg11[%dma_wait3A_192] : memref<640xf32, #tpu.memory_space<vmem>> -> memref<640xf32, #tpu.memory_space<vmem>>
      %dma_wait3A_194 = arith.constant 0 : i32
      %dma_wait3A_195 = tpu.memref_slice %arg9[%dma_wait3A_191, %dma_wait3A_194] : memref<1x640xi32, #tpu.memory_space<vmem>> -> memref<1x640xi32, #tpu.memory_space<vmem>>
      %dma_wait3A_196 = tpu.memref_squeeze %dma_wait3A_195 : memref<1x640xi32, #tpu.memory_space<vmem>> -> memref<640xi32, #tpu.memory_space<vmem>>
      %dma_wait3A_197 = arith.constant 0 : i32
      %dma_wait3A_198 = tpu.memref_slice %arg16[%dma_wait3A_197] : memref<100000xf32, #tpu.memory_space<vmem_shared>> -> memref<100000xf32, #tpu.memory_space<vmem_shared>>
      tpu.wait_indirect_dma semaphore(%arg18 : memref<!tpu.dma_semaphore, #tpu.memory_space<semaphore_mem>>) src(%dma_wait3A_198 : memref<100000xf32, #tpu.memory_space<vmem_shared>>) dst(%dma_wait3A_193 : memref<640xf32, #tpu.memory_space<vmem>>)
      %scan3A_199 = arith.constant 0 : i32
      %scan3A_200 = arith.constant 0 : i32
      %scan3A_201 = arith.constant 40 : i32
      %scan3A_202 = arith.addi %scan3A_200, %scan3A_201 : i32
      %scan3A_203 = arith.constant 1 : i32
      %scan3A_204 = scf.for %scan3A_223 = %scan3A_200 to %scan3A_202 step %scan3A_203 iter_args(%scan3A_224 = %scan3A_199) -> (i32)  : i32 {
        %mul3A_225 = arith.constant 16 : i32
        %mul3A_226 = arith.muli %scan3A_223, %mul3A_225 : i32
        %get3A_227 = arith.index_cast %mul3A_226 : i32 to index
        %get3A_228 = tpu.vector_load %arg10[%get3A_227] {strides = array<i32>} : memref<640xf32, #tpu.memory_space<vmem>>, vector<16xf32>,
        %mul3A_229 = arith.constant 16 : i32
        %mul3A_230 = arith.muli %scan3A_223, %mul3A_229 : i32
        %get3A_231 = arith.index_cast %mul3A_230 : i32 to index
        %get3A_232 = tpu.vector_load %arg11[%get3A_231] {strides = array<i32>} : memref<640xf32, #tpu.memory_space<vmem>>, vector<16xf32>,
        %mul3A_233 = arith.constant 16 : i32
        %mul3A_234 = arith.muli %scan3A_223, %mul3A_233 : i32
        %add3A_235 = vector.broadcast %mul3A_234 : i32 to vector<16xi32>
        %add3A_236 = arith.addi %iota3A, %add3A_235 : vector<16xi32>
        %mul3A_237 = arith.mulf %get3A_228, %get3A_26 : vector<16xf32>
        %mul3A_238 = arith.mulf %get3A_232, %get3A_58 : vector<16xf32>
        %add3A_239 = arith.addf %mul3A_237, %mul3A_238 : vector<16xf32>
        %mul3A_240 = arith.constant 2.000000e-01 : f32
        %mul3A_241 = vector.broadcast %mul3A_240 : f32 to vector<16xf32>
        %mul3A_242 = arith.mulf %add3A_239, %mul3A_241 : vector<16xf32>
        %max3A = arith.maximumf %add3A_239, %mul3A_242 : vector<16xf32>
        %exp3A = math.exp %max3A : vector<16xf32>
        tpu.vector_store_idx %arg12[%add3A_236, %broadcast_in_dim3A_87], %exp3A : memref<640x16xf32, #tpu.memory_space<vmem>>[vector<16xi32>, vector<16xi32>], vector<16xf32>,
        %mul3A_243 = arith.mulf %exp3A, %get3A_228 : vector<16xf32>
        tpu.vector_store_idx %arg12[%add3A_236, %broadcast_in_dim3A_103], %mul3A_243 : memref<640x16xf32, #tpu.memory_space<vmem>>[vector<16xi32>, vector<16xi32>], vector<16xf32>,
        %mul3A_244 = arith.mulf %get3A_228, %get3A_30 : vector<16xf32>
        %mul3A_245 = arith.mulf %get3A_232, %get3A_62 : vector<16xf32>
        %add3A_246 = arith.addf %mul3A_244, %mul3A_245 : vector<16xf32>
        %mul3A_247 = arith.constant 2.000000e-01 : f32
        %mul3A_248 = vector.broadcast %mul3A_247 : f32 to vector<16xf32>
        %mul3A_249 = arith.mulf %add3A_246, %mul3A_248 : vector<16xf32>
        %max3A_250 = arith.maximumf %add3A_246, %mul3A_249 : vector<16xf32>
        %exp3A_251 = math.exp %max3A_250 : vector<16xf32>
        tpu.vector_store_idx %arg12[%add3A_236, %broadcast_in_dim3A_89], %exp3A_251 : memref<640x16xf32, #tpu.memory_space<vmem>>[vector<16xi32>, vector<16xi32>], vector<16xf32>,
        %mul3A_252 = arith.mulf %exp3A_251, %get3A_228 : vector<16xf32>
        tpu.vector_store_idx %arg12[%add3A_236, %broadcast_in_dim3A_105], %mul3A_252 : memref<640x16xf32, #tpu.memory_space<vmem>>[vector<16xi32>, vector<16xi32>], vector<16xf32>,
        %mul3A_253 = arith.mulf %get3A_228, %get3A_34 : vector<16xf32>
        %mul3A_254 = arith.mulf %get3A_232, %get3A_66 : vector<16xf32>
        %add3A_255 = arith.addf %mul3A_253, %mul3A_254 : vector<16xf32>
        %mul3A_256 = arith.constant 2.000000e-01 : f32
        %mul3A_257 = vector.broadcast %mul3A_256 : f32 to vector<16xf32>
        %mul3A_258 = arith.mulf %add3A_255, %mul3A_257 : vector<16xf32>
        %max3A_259 = arith.maximumf %add3A_255, %mul3A_258 : vector<16xf32>
        %exp3A_260 = math.exp %max3A_259 : vector<16xf32>
        tpu.vector_store_idx %arg12[%add3A_236, %broadcast_in_dim3A_91], %exp3A_260 : memref<640x16xf32, #tpu.memory_space<vmem>>[vector<16xi32>, vector<16xi32>], vector<16xf32>,
        %mul3A_261 = arith.mulf %exp3A_260, %get3A_228 : vector<16xf32>
        tpu.vector_store_idx %arg12[%add3A_236, %broadcast_in_dim3A_107], %mul3A_261 : memref<640x16xf32, #tpu.memory_space<vmem>>[vector<16xi32>, vector<16xi32>], vector<16xf32>,
        %mul3A_262 = arith.mulf %get3A_228, %get3A_38 : vector<16xf32>
        %mul3A_263 = arith.mulf %get3A_232, %get3A_70 : vector<16xf32>
        %add3A_264 = arith.addf %mul3A_262, %mul3A_263 : vector<16xf32>
        %mul3A_265 = arith.constant 2.000000e-01 : f32
        %mul3A_266 = vector.broadcast %mul3A_265 : f32 to vector<16xf32>
        %mul3A_267 = arith.mulf %add3A_264, %mul3A_266 : vector<16xf32>
        %max3A_268 = arith.maximumf %add3A_264, %mul3A_267 : vector<16xf32>
        %exp3A_269 = math.exp %max3A_268 : vector<16xf32>
        tpu.vector_store_idx %arg12[%add3A_236, %broadcast_in_dim3A_93], %exp3A_269 : memref<640x16xf32, #tpu.memory_space<vmem>>[vector<16xi32>, vector<16xi32>], vector<16xf32>,
        %mul3A_270 = arith.mulf %exp3A_269, %get3A_228 : vector<16xf32>
        tpu.vector_store_idx %arg12[%add3A_236, %broadcast_in_dim3A_109], %mul3A_270 : memref<640x16xf32, #tpu.memory_space<vmem>>[vector<16xi32>, vector<16xi32>], vector<16xf32>,
        %mul3A_271 = arith.mulf %get3A_228, %get3A_42 : vector<16xf32>
        %mul3A_272 = arith.mulf %get3A_232, %get3A_74 : vector<16xf32>
        %add3A_273 = arith.addf %mul3A_271, %mul3A_272 : vector<16xf32>
        %mul3A_274 = arith.constant 2.000000e-01 : f32
        %mul3A_275 = vector.broadcast %mul3A_274 : f32 to vector<16xf32>
        %mul3A_276 = arith.mulf %add3A_273, %mul3A_275 : vector<16xf32>
        %max3A_277 = arith.maximumf %add3A_273, %mul3A_276 : vector<16xf32>
        %exp3A_278 = math.exp %max3A_277 : vector<16xf32>
        tpu.vector_store_idx %arg12[%add3A_236, %broadcast_in_dim3A_95], %exp3A_278 : memref<640x16xf32, #tpu.memory_space<vmem>>[vector<16xi32>, vector<16xi32>], vector<16xf32>,
        %mul3A_279 = arith.mulf %exp3A_278, %get3A_228 : vector<16xf32>
        tpu.vector_store_idx %arg12[%add3A_236, %broadcast_in_dim3A_111], %mul3A_279 : memref<640x16xf32, #tpu.memory_space<vmem>>[vector<16xi32>, vector<16xi32>], vector<16xf32>,
        %mul3A_280 = arith.mulf %get3A_228, %get3A_46 : vector<16xf32>
        %mul3A_281 = arith.mulf %get3A_232, %get3A_78 : vector<16xf32>
        %add3A_282 = arith.addf %mul3A_280, %mul3A_281 : vector<16xf32>
        %mul3A_283 = arith.constant 2.000000e-01 : f32
        %mul3A_284 = vector.broadcast %mul3A_283 : f32 to vector<16xf32>
        %mul3A_285 = arith.mulf %add3A_282, %mul3A_284 : vector<16xf32>
        %max3A_286 = arith.maximumf %add3A_282, %mul3A_285 : vector<16xf32>
        %exp3A_287 = math.exp %max3A_286 : vector<16xf32>
        tpu.vector_store_idx %arg12[%add3A_236, %broadcast_in_dim3A_97], %exp3A_287 : memref<640x16xf32, #tpu.memory_space<vmem>>[vector<16xi32>, vector<16xi32>], vector<16xf32>,
        %mul3A_288 = arith.mulf %exp3A_287, %get3A_228 : vector<16xf32>
        tpu.vector_store_idx %arg12[%add3A_236, %broadcast_in_dim3A_113], %mul3A_288 : memref<640x16xf32, #tpu.memory_space<vmem>>[vector<16xi32>, vector<16xi32>], vector<16xf32>,
        %mul3A_289 = arith.mulf %get3A_228, %get3A_50 : vector<16xf32>
        %mul3A_290 = arith.mulf %get3A_232, %get3A_82 : vector<16xf32>
        %add3A_291 = arith.addf %mul3A_289, %mul3A_290 : vector<16xf32>
        %mul3A_292 = arith.constant 2.000000e-01 : f32
        %mul3A_293 = vector.broadcast %mul3A_292 : f32 to vector<16xf32>
        %mul3A_294 = arith.mulf %add3A_291, %mul3A_293 : vector<16xf32>
        %max3A_295 = arith.maximumf %add3A_291, %mul3A_294 : vector<16xf32>
        %exp3A_296 = math.exp %max3A_295 : vector<16xf32>
        tpu.vector_store_idx %arg12[%add3A_236, %broadcast_in_dim3A_99], %exp3A_296 : memref<640x16xf32, #tpu.memory_space<vmem>>[vector<16xi32>, vector<16xi32>], vector<16xf32>,
        %mul3A_297 = arith.mulf %exp3A_296, %get3A_228 : vector<16xf32>
        tpu.vector_store_idx %arg12[%add3A_236, %broadcast_in_dim3A_115], %mul3A_297 : memref<640x16xf32, #tpu.memory_space<vmem>>[vector<16xi32>, vector<16xi32>], vector<16xf32>,
        %mul3A_298 = arith.mulf %get3A_228, %get3A_54 : vector<16xf32>
        %mul3A_299 = arith.mulf %get3A_232, %get3A_86 : vector<16xf32>
        %add3A_300 = arith.addf %mul3A_298, %mul3A_299 : vector<16xf32>
        %mul3A_301 = arith.constant 2.000000e-01 : f32
        %mul3A_302 = vector.broadcast %mul3A_301 : f32 to vector<16xf32>
        %mul3A_303 = arith.mulf %add3A_300, %mul3A_302 : vector<16xf32>
        %max3A_304 = arith.maximumf %add3A_300, %mul3A_303 : vector<16xf32>
        %exp3A_305 = math.exp %max3A_304 : vector<16xf32>
        tpu.vector_store_idx %arg12[%add3A_236, %broadcast_in_dim3A_101], %exp3A_305 : memref<640x16xf32, #tpu.memory_space<vmem>>[vector<16xi32>, vector<16xi32>], vector<16xf32>,
        %mul3A_306 = arith.mulf %exp3A_305, %get3A_228 : vector<16xf32>
        tpu.vector_store_idx %arg12[%add3A_236, %broadcast_in_dim3A_117], %mul3A_306 : memref<640x16xf32, #tpu.memory_space<vmem>>[vector<16xi32>, vector<16xi32>], vector<16xf32>,
        %scan3A_307 = arith.constant 0 : i32
        scf.yield %scan3A_307 : i32
      }
      %scan3A_205 = arith.constant 40 : i32
      %dma_start3A_206 = arith.constant 0 : i32
      %dma_start3A_207 = arith.constant 0 : i32
      %dma_start3A_208 = arith.constant 0 : i32
      %dma_start3A_209 = tpu.memref_slice %arg12[%dma_start3A_207, %dma_start3A_208] : memref<640x16xf32, #tpu.memory_space<vmem>> -> memref<640x16xf32, #tpu.memory_space<vmem>>
      %dma_start3A_210 = arith.constant 0 : i32
      %dma_start3A_211 = tpu.memref_slice %arg9[%dma_start3A_206, %dma_start3A_210] : memref<1x640xi32, #tpu.memory_space<vmem>> -> memref<1x640xi32, #tpu.memory_space<vmem>>
      %dma_start3A_212 = tpu.memref_squeeze %dma_start3A_211 : memref<1x640xi32, #tpu.memory_space<vmem>> -> memref<640xi32, #tpu.memory_space<vmem>>
      %dma_start3A_213 = arith.constant 0 : i32
      %dma_start3A_214 = arith.constant 0 : i32
      %dma_start3A_215 = tpu.memref_slice %arg15[%dma_start3A_213, %dma_start3A_214] : memref<100000x16xf32, #tpu.memory_space<vmem_shared>> -> memref<100000x16xf32, #tpu.memory_space<vmem_shared>>
      tpu.enqueue_indirect_dma source(%dma_start3A_209 : memref<640x16xf32, #tpu.memory_space<vmem>>) target(%dma_start3A_215 : memref<100000x16xf32, #tpu.memory_space<vmem_shared>>) offsets(%dma_start3A_212 : memref<640xi32, #tpu.memory_space<vmem>>) semaphore(%arg19 : memref<!tpu.dma_semaphore, #tpu.memory_space<semaphore_mem>>) {add = true}
      %dma_wait3A_216 = arith.constant 0 : i32
      %dma_wait3A_217 = arith.constant 0 : i32
      %dma_wait3A_218 = tpu.memref_slice %arg15[%dma_wait3A_216, %dma_wait3A_217] : memref<100000x16xf32, #tpu.memory_space<vmem_shared>> -> memref<640x16xf32, #tpu.memory_space<vmem_shared>>
      %dma_wait3A_219 = arith.constant 0 : i32
      %dma_wait3A_220 = arith.constant 0 : i32
      %dma_wait3A_221 = tpu.memref_slice %arg15[%dma_wait3A_219, %dma_wait3A_220] : memref<100000x16xf32, #tpu.memory_space<vmem_shared>> -> memref<640x16xf32, #tpu.memory_space<vmem_shared>>
      tpu.wait_dma2 semaphore(%arg19 : memref<!tpu.dma_semaphore, #tpu.memory_space<semaphore_mem>>) src(%arg12 : memref<640x16xf32, #tpu.memory_space<vmem>>) dst(%dma_wait3A_221 : memref<640x16xf32, #tpu.memory_space<vmem_shared>>)
      %while3A_222 = arith.constant 0 : i32
      scf.yield %while3A_222 : i32
    }
    %barrier3A_137 = arith.constant 0 : index
    tpu.barrier barrier_id(%barrier3A_137)
    %mul3A_138 = arith.constant 6250 : i32
    %mul3A_139 = arith.muli %arg1, %mul3A_138 : i32
    %mul3A_140 = arith.constant 6250 : i32
    %mul3A_141 = arith.muli %arg1, %mul3A_140 : i32
    "tpu.region"() ({
      %run_scoped3A = tpu.sem_alloc : memref<!tpu.dma_semaphore, #tpu.memory_space<semaphore_mem>>
      %dma_start3A = arith.constant 0 : i32
      %dma_start3A_142 = tpu.memref_slice %arg7[%arg0, %mul3A_141, %dma_start3A] : memref<2x100000x16xf32, #tpu.memory_space<hbm>> -> memref<1x6250x16xf32, #tpu.memory_space<hbm>>
      %dma_start3A_143 = tpu.memref_squeeze %dma_start3A_142 : memref<1x6250x16xf32, #tpu.memory_space<hbm>> -> memref<6250x16xf32, #tpu.memory_space<hbm>>
      %dma_start3A_144 = arith.constant 0 : i32
      %dma_start3A_145 = tpu.memref_slice %arg15[%mul3A_139, %dma_start3A_144] : memref<100000x16xf32, #tpu.memory_space<vmem_shared>> -> memref<6250x16xf32, #tpu.memory_space<vmem_shared>>
      tpu.enqueue_dma source(%dma_start3A_145 : memref<6250x16xf32, #tpu.memory_space<vmem_shared>>) target(%dma_start3A_143 : memref<6250x16xf32, #tpu.memory_space<hbm>>) target_semaphore(%run_scoped3A : memref<!tpu.dma_semaphore, #tpu.memory_space<semaphore_mem>>)
      %dma_wait3A = arith.constant 0 : i32
      %dma_wait3A_146 = tpu.memref_slice %arg7[%arg0, %mul3A_141, %dma_wait3A] : memref<2x100000x16xf32, #tpu.memory_space<hbm>> -> memref<1x6250x16xf32, #tpu.memory_space<hbm>>
      %dma_wait3A_147 = tpu.memref_squeeze %dma_wait3A_146 : memref<1x6250x16xf32, #tpu.memory_space<hbm>> -> memref<6250x16xf32, #tpu.memory_space<hbm>>
      %dma_wait3A_148 = arith.constant 0 : i32
      %dma_wait3A_149 = tpu.memref_slice %arg15[%mul3A_139, %dma_wait3A_148] : memref<100000x16xf32, #tpu.memory_space<vmem_shared>> -> memref<6250x16xf32, #tpu.memory_space<vmem_shared>>
      tpu.wait_dma2 semaphore(%run_scoped3A : memref<!tpu.dma_semaphore, #tpu.memory_space<semaphore_mem>>) src(%dma_wait3A_149 : memref<6250x16xf32, #tpu.memory_space<vmem_shared>>) dst(%dma_wait3A_147 : memref<6250x16xf32, #tpu.memory_space<hbm>>)
      tpu.yield
    }) : () -> ()
    return
  }
}

module attributes {stable_mosaic.version = 14 : i64} {
  func.func @_finalize_body(%arg0: i32, %arg1: memref<2x1000x16xf32, #tpu.memory_space<vmem>>, %arg2: memref<8x64xf32, #tpu.memory_space<vmem>>, %arg3: memref<1x64xf32, #tpu.memory_space<vmem>>, %arg4: memref<1000x64xf32, #tpu.memory_space<vmem>>) attributes {dimension_semantics = [#tpu.dimension_semantics<arbitrary>], iteration_bounds = array<i64: 100>, scalar_prefetch = 0 : i64, scratch_operands = 0 : i64, tpu.core_type = #tpu.core_type<tc>, window_params = [{transform_indices = @transform_0, window_bounds = array<i64: 2, 1000, 16>}, {pipeline_mode = #tpu.pipeline_mode<synchronous>, transform_indices = @transform_1, window_bounds = array<i64: 8, 64>}, {pipeline_mode = #tpu.pipeline_mode<synchronous>, transform_indices = @transform_2, window_bounds = array<i64: 1, 64>}, {transform_indices = @transform_3, window_bounds = array<i64: 1000, 64>}]} {
    %get3A = arith.constant 0 : index
    %get3A_0 = arith.constant 0 : index
    %get3A_1 = arith.constant 0 : index
    %get3A_2 = vector.load %arg1[%get3A, %get3A_0, %get3A_1] : memref<2x1000x16xf32, #tpu.memory_space<vmem>>, vector<1x1000x16xf32>
    %get3A_3 = vector.shape_cast %get3A_2 : vector<1x1000x16xf32> to vector<1000x16xf32>
    %get3A_4 = arith.constant 1 : index
    %get3A_5 = arith.constant 0 : index
    %get3A_6 = arith.constant 0 : index
    %get3A_7 = vector.load %arg1[%get3A_4, %get3A_5, %get3A_6] : memref<2x1000x16xf32, #tpu.memory_space<vmem>>, vector<1x1000x16xf32>
    %get3A_8 = vector.shape_cast %get3A_7 : vector<1x1000x16xf32> to vector<1000x16xf32>
    %add3A = arith.addf %get3A_3, %get3A_8 : vector<1000x16xf32>
    %slice3A = vector.extract_strided_slice %add3A {offsets = [0, 0], sizes = [1000, 8], strides = [1, 1]} : vector<1000x16xf32> to vector<1000x8xf32>
    %slice3A_9 = vector.extract_strided_slice %add3A {offsets = [0, 8], sizes = [1000, 8], strides = [1, 1]} : vector<1000x16xf32> to vector<1000x8xf32>
    %add3A_10 = arith.constant 1.000000e-16 : f32
    %add3A_11 = vector.broadcast %add3A_10 : f32 to vector<1000x8xf32>
    %add3A_12 = arith.addf %slice3A, %add3A_11 : vector<1000x8xf32>
    %div3A = arith.divf %slice3A_9, %add3A_12 : vector<1000x8xf32>
    %get3A_13 = arith.constant 0 : index
    %get3A_14 = arith.constant 0 : index
    %get3A_15 = vector.load %arg2[%get3A_13, %get3A_14] : memref<8x64xf32, #tpu.memory_space<vmem>>, vector<8x64xf32>
    %dot_general3A = arith.constant dense<0.000000e+00> : vector<1000x64xf32>
    %dot_general3A_16 = tpu.matmul %div3A, %get3A_15, %dot_general3A {dimension_numbers = #tpu.dot_dimension_numbers<[1], [0], [0], [1], [0, 0, 1, 1], [], []>, transpose_lhs_hint = false} : vector<1000x8xf32>, vector<8x64xf32>, vector<1000x64xf32> -> vector<1000x64xf32>
    %get3A_17 = arith.constant 0 : index
    %get3A_18 = arith.constant 0 : index
    %get3A_19 = vector.load %arg3[%get3A_17, %get3A_18] : memref<1x64xf32, #tpu.memory_space<vmem>>, vector<1x64xf32>
    %add3A_20 = vector.broadcast %get3A_19 : vector<1x64xf32> to vector<1000x64xf32>
    %add3A_21 = arith.addf %dot_general3A_16, %add3A_20 : vector<1000x64xf32>
    %max3A = arith.constant 0.000000e+00 : f32
    %max3A_22 = vector.broadcast %max3A : f32 to vector<1000x64xf32>
    %max3A_23 = arith.maximumf %add3A_21, %max3A_22 : vector<1000x64xf32>
    %swap3A = arith.constant 0 : index
    %swap3A_24 = arith.constant 0 : index
    %swap3A_25 = vector.load %arg4[%swap3A, %swap3A_24] : memref<1000x64xf32, #tpu.memory_space<vmem>>, vector<1000x64xf32>
    tpu.vector_store %arg4[%swap3A, %swap3A_24], %max3A_23 {strides = array<i32>} : memref<1000x64xf32, #tpu.memory_space<vmem>>, vector<1000x64xf32>,
    return
  }
  func.func @transform_0(%arg0: i32) -> (i32, i32, i32) {
    %c0_i32 = arith.constant 0 : i32
    %c0_i32_0 = arith.constant 0 : i32
    %c0_i32_1 = arith.constant 0 : i32
    return %c0_i32, %arg0, %c0_i32_0 : i32, i32, i32
  }
  func.func @transform_1(%arg0: i32) -> (i32, i32) {
    %c0_i32 = arith.constant 0 : i32
    %c0_i32_0 = arith.constant 0 : i32
    %c0_i32_1 = arith.constant 0 : i32
    return %c0_i32, %c0_i32_0 : i32, i32
  }
  func.func @transform_2(%arg0: i32) -> (i32, i32) {
    %c0_i32 = arith.constant 0 : i32
    %c0_i32_0 = arith.constant 0 : i32
    %c0_i32_1 = arith.constant 0 : i32
    return %c0_i32, %c0_i32_0 : i32, i32
  }
  func.func @transform_3(%arg0: i32) -> (i32, i32) {
    %c0_i32 = arith.constant 0 : i32
    %c0_i32_0 = arith.constant 0 : i32
    return %arg0, %c0_i32 : i32, i32
  }
}

</mosaic_0001>

<sc_bundles>
// kernel: kernel.4.cloned.1.call-start
scs
__scs_entry_jumppad:
0x0: {  	(pc) =	sbr.rel $0x88, $3  }
0x1: {  	(tag) =	ssettag $0x0;
	lr =	simm.s32 $0x1  }
0x2: {  	[smem:$0x3F9B] =	sst lr;
	_ =	strace $0xD0000000  }
0x3: {  	_ = 	snop  }
0x4: {  	_ = 	snop  }
0x5: {  	_ = 	snop  }
0x6: {  	_ = 	snop  }
0x7: {  	_ = 	snop  }
__scs_overlays_trampoline_lowered:
0x8: {  	[smem:$0x3FAA] =	sst s0  }
0x9: {  	[smem:$0x3FAB] =	sst s1  }
0xa: {  	[smem:$0x3FAC] =	sst s2  }
0xb: {  	[smem:$0x3FAD] =	sst s3  }
0xc: {  	[smem:$0x3FAE] =	sst s4  }
0xd: {  	[smem:$0x3FAF] =	sst s5  }
0xe: {  	[smem:$0x3FB0] =	sst s6  }
0xf: {  	[smem:$0x3FB1] =	sst s7  }
0x10: {  	[smem:$0x3FB2] =	sst s8  }
0x11: {  	[smem:$0x3FB3] =	sst s9;
	s0 =	simm.s32 @!p0 $0x0  }
0x12: {  	s1 =	sld [smem:$0x3F99];
	s0 =	simm.s32 @p0 $0x1  }
0x13: {  	[smem:$0x3FB4] =	sst s0;
	s0 =	simm.s32 @!p1 $0x0  }
0x14: {  	s2 =	sld [smem:$0x3F98];
	s0 =	simm.s32 @p1 $0x1  }
0x15: {  	[smem:$0x3FB5] =	sst s0;
	s0 =	simm.s32 @!p2 $0x0  }
0x16: {  	s3 =	sld [smem:$0x3FDB];
	s0 =	simm.s32 @p2 $0x1  }
0x17: {  	s4 =	simm.s32 $0x1BF5;
	[smem:$0x3FB7] =	sst s0  }
0x18: {  	s0 =	sld [smem:$0x3F9A];
	_ =	swait.ge [sflag:s4], $0x0  }
0x19: {  	s7 =	sld [smem:$0x3F9B]  }
0x1a: {  	s8 =	sadd.s32 $0xFFFFE003, lr  }
0x1b: {  	s9 =	sadd.s32 $0xFFFFFEF7, lr;
	s5 =	simm.s32 $0xFFFFFFFF;
	p2 =	slt.u32 s8, $0xFFFFF086  }
0x1c: {  	p1 =	slt.u32 s9, $0xF7A;
	s5 =	simm.s32 @!p2 $0x0  }
0x1d: {  	s5 =	simm.s32 @p1 $0x1;
	p0 =	seq.s32 s7, s2  }
0x1e: {  	s7 =	smul.u32 @!p0 $0xF7A, s2;
	p2 =	seq.s32 @!p0 s5, $0x0  }
0x1f: {  	s9 =	smul.u32 $0xF7A, s1;
	s8 =	simm.s32 @!p0 $0x1BF5;
	p2 =	por !p2, p0  }
0x20: {  	[sflag:s8] =	ssyncset.s32 @!p0 $0xFFFFF086;
	s6 =	sadd.s32 @!p0 s3, s7;
	s7 =	simm.s32 @!p0 $0x108  }
0x21: {  	s3 =	sadd.s32 s3, s9;
	s6 =	sadd.s32 @!p0 $0x88, s6;
	s7 =	simm.s32 @p2 $0x1082  }
0x22: {  	[simem:s7], [sflag:s8] =	dma.local @!p0 [hbm:s6], $0xF7A  }
0x23: {  	s9 =	sor.u32 $0xD0000000, s2;
	s6 =	simm.s32 $0x108;
	_ =	swait.ge @!p0 [sflag:s8], $0x0  }
0x24: {  	s3 =	sadd.s32 $0x88, s3;
	s6 =	simm.s32 @!p1 $0x1082;
	[sflag:s4] =	ssyncset.s32 $0xFFFFF086  }
0x25: {  	[simem:s6], [sflag:s4] =	dma.local [hbm:s3], $0xF7A  }
0x26: {  	[smem:$0x3F9B] =	sst s1;
	(tag) =	ssettag s2;
	_ =	strace s9  }
0x27: {  	s1 =	sld [smem:$0x3FAB]  }
0x28: {  	s2 =	sld [smem:$0x3FAC]  }
0x29: {  	s4 =	sld [smem:$0x3FAE]  }
0x2a: {  	p0 =	seq.s32 s5, $0x0;
	s5 =	sld [smem:$0x3FAF]  }
0x2b: {  	s6 =	sld [smem:$0x3FB0]  }
0x2c: {  	s7 =	sld [smem:$0x3FB1]  }
0x2d: {  	s3 =	simm.s32 $0x108;
	s8 =	sld [smem:$0x3FB2]  }
0x2e: {  	s3 =	simm.s32 @!p0 $0x1082;
	s9 =	sld [smem:$0x3FB3]  }
0x2f: {  	lr =	sadd.s32 s0, s3;
	s0 =	sld [smem:$0x3FAA]  }
0x30: {  	s3 =	sld [smem:$0x3FAD]  }
0x31: {  	[smem:$0x3FB6] =	sst s10  }
0x32: {  	s10 =	sld [smem:$0x3FB4];
	_ =	sdelay $0x3  }
0x33: {  	p0 =	seq.s32 s10, $0x1;
	s10 =	sld [smem:$0x3FB6];
	_ =	sdelay $0x3  }
0x34: {  	[smem:$0x3FB6] =	sst s10  }
0x35: {  	s10 =	sld [smem:$0x3FB5];
	_ =	sdelay $0x3  }
0x36: {  	p1 =	seq.s32 s10, $0x1;
	s10 =	sld [smem:$0x3FB6];
	_ =	sdelay $0x3  }
0x37: {  	[smem:$0x3FB6] =	sst s10  }
0x38: {  	s10 =	sld [smem:$0x3FB7]  }
0x39: {  	_ = 	snop;
	(pc) =	sbr.ind lr, $3  }
0x3a: {  	_ = 	snop  }
0x3b: {  	_ = 	snop  }
0x3c: {  	p2 =	seq.s32 s10, $0x1;
	s10 =	sld [smem:$0x3FB6]  }
0x3d: {  	_ =	shalt  }
0x3e: {  	_ =	shalt  }
0x3f: {  	_ =	shalt  }
0x40: {  	_ =	shalt  }
0x41: {  	_ =	shalt  }
0x42: {  	_ =	shalt  }
0x43: {  	_ =	shalt  }
0x44: {  	_ =	shalt  }
0x45: {  	_ =	shalt  }
0x46: {  	_ =	shalt  }
0x47: {  	_ =	shalt  }
0x48: {  	_ =	shalt  }
0x49: {  	_ =	shalt  }
0x4a: {  	_ =	shalt  }
0x4b: {  	_ =	shalt  }
0x4c: {  	_ =	shalt  }
0x4d: {  	_ =	shalt  }
0x4e: {  	_ =	shalt  }
0x4f: {  	_ =	shalt  }
0x50: {  	_ =	shalt  }
0x51: {  	_ =	shalt  }
0x52: {  	_ =	shalt  }
0x53: {  	_ =	shalt  }
0x54: {  	_ =	shalt  }
0x55: {  	_ =	shalt  }
0x56: {  	_ =	shalt  }
0x57: {  	_ =	shalt  }
0x58: {  	_ =	shalt  }
0x59: {  	_ =	shalt  }
0x5a: {  	_ =	shalt  }
0x5b: {  	_ =	shalt  }
0x5c: {  	_ =	shalt  }
0x5d: {  	_ =	shalt  }
0x5e: {  	_ =	shalt  }
0x5f: {  	_ =	shalt  }
0x60: {  	_ =	shalt  }
0x61: {  	_ =	shalt  }
0x62: {  	_ =	shalt  }
0x63: {  	_ =	shalt  }
0x64: {  	_ =	shalt  }
0x65: {  	_ =	shalt  }
0x66: {  	_ =	shalt  }
0x67: {  	_ =	shalt  }
0x68: {  	_ =	shalt  }
0x69: {  	_ =	shalt  }
0x6a: {  	_ =	shalt  }
0x6b: {  	_ =	shalt  }
0x6c: {  	_ =	shalt  }
0x6d: {  	_ =	shalt  }
0x6e: {  	_ =	shalt  }
0x6f: {  	_ =	shalt  }
0x70: {  	_ =	shalt  }
0x71: {  	_ =	shalt  }
0x72: {  	_ =	shalt  }
0x73: {  	_ =	shalt  }
0x74: {  	_ =	shalt  }
0x75: {  	_ =	shalt  }
0x76: {  	_ =	shalt  }
0x77: {  	_ =	shalt  }
0x78: {  	_ =	shalt  }
0x79: {  	_ =	shalt  }
0x7a: {  	_ =	shalt  }
0x7b: {  	_ =	shalt  }
0x7c: {  	_ =	shalt  }
0x7d: {  	_ =	shalt  }
0x7e: {  	_ =	shalt  }
0x7f: {  	_ =	shalt  }
0x80: {  	_ =	shalt  }
0x81: {  	_ =	shalt  }
0x82: {  	_ =	shalt  }
0x83: {  	_ =	shalt  }
0x84: {  	_ =	shalt  }
0x85: {  	_ =	shalt  }
0x86: {  	_ =	shalt  }
0x87: {  	_ =	shalt  }
.Lfunc_end0:
.L_simem_size_0:
called_computation_lowered:
.L_overlay_start_0:
0x88: {  	s2 =	sld [smem:$0x3FD9]  }
0x89: {  	s3 =	sld [smem:$0x3FFE];
	_ =	sdelay $0x1  }
0x8a: {  	s1 =	srdreg.scid  }
0x8b: {  	s0 =	sand.u32 $0x1, s1  }
0x8c: {  	s17 =	sshll.u32 s0, $0xA;
	s2 =	sadd.s32 s3, s2  }
0x8d: {  	s2 =	sadd.s32 s2, s17  }
0x8e: {  	[smem:$0x3FC2] =	sst s2  }
0x8f: {  	_ = 	snop  }
0x90: {  	s2 =	sld [smem:$0x3FD0];
	(tm) =	ssettm $0x1  }
0x91: {  	s18 =	sld [smem:$0x3FFB];
	_ =	sdelay $0x3  }
0x92: {  	_ =	strace s18  }
0x93: {  	s3 =	sld [smem:$0x3FFC];
	_ =	sdelay $0x3  }
0x94: {  	_ =	strace s3  }
0x95: {  	s3 =	sld [smem:$0x3FFD];
	_ =	sdelay $0x3  }
0x96: {  	_ =	strace s3  }
0x97: {  	_ =	strace $0x8FFFFFFF  }
0x98: {  	s19 =	sld [smem:$0x3FDB];
	_ =	sdelay $0x1  }
0x99: {  	s4 =	simm.s32 $_scs_section_size  }
0x9a: {  	s5 =	simm.s32 $_size__tile_overlayer_lowered;
	s6 =	simm.s32 $_tile_overlayer_lowered  }
0x9b: {  	s22 =	simm.s32 $0x1BFF;
	s21 =	sshll.u32 s6, $0x1;
	s3 =	sadd.s32 s4, s19  }
0x9c: {  	s7 =	simm.s32 $0x0;
	s20 =	sshll.u32 s5, $0x1;
	s5 =	sadd.s32 s21, s3  }
0x9d: {  	[timem:s7], [sflag:s22] =	dma.local [hbm:s5], s20  }
0x9e: {  	_ =	swait.ge [sflag:s22], s20  }
0x9f: {  	s4 =	ssub.s32 $0x0, s20;
	[sflag:s22] =	ssyncset.done $0x0  }
0xa0: {  	[sflag:s22] =	ssyncadd.s32 s4;
	_ =	sdelay $0x1  }
0xa1: {  	s23 =	simm.s32 $0x1B8B  }
0xa2: {  	_ =	swait.ge [sflag:s23], $0x1  }
0xa3: {  	[sflag:s23] =	ssyncset.done $0x0  }
0xa4: {  	s25 =	simm.s32 $0x1B8E;
	s24 =	sld [smem:$0x3FFE];
	[sflag:s23] =	ssyncadd.s32 $0xFFFFFFFF  }
0xa5: {  	s26 =	simm.s32 $execute0_lowered;
	[smem:$0x3FD2] =	sst s25  }
0xa6: {  	s5 =	sshll.u32 s26, $0x1;
	_ =	strace $0x80000046;
	[dreg:$0x1] =	wrdreg $0xFFFFFFFF  }
0xa7: {  	s28 =	simm.s32 $_size_execute0_lowered;
	s3 =	sadd.s32 s3, s5;
	[dreg:$0x0] =	wrdreg $0x0  }
0xa8: {  	s5 =	sshll.u32 s28, $0x1;
	[dreg:$0x2] =	wrdreg s3  }
0xa9: {  	[dreg:$0x3] =	wrdreg s5  }
0xaa: {  	[dreg:$0x4] =	wrdreg $0xC0  }
0xab: {  	_ =	task [dreg:s7], $0x5FFFF  }
0xac: {  	[dreg:$0x1] =	wrdreg $0xFFFFFFFF  }
0xad: {  	[dreg:$0x0] =	wrdreg $0x60  }
0xae: {  	[dreg:$0x2] =	wrdreg s24  }
0xaf: {  	[dreg:$0x3] =	wrdreg s2  }
0xb0: {  	[dreg:$0x4] =	wrdreg $0x1B9A00  }
0xb1: {  	[dreg:$0x5] =	wrdreg $0x33000  }
0xb2: {  	[dreg:$0x6] =	wrdreg $0x9  }
0xb3: {  	_ =	task.clear_ibuf [dreg:s7], $0x7FFFF;
	_ =	strace $0x90000046  }
0xb4: {  	s29 =	simm.s32 $0x9;
	_ =	strace $0x80000048  }
0xb5: {  	_ =	swait.ge [sflag:s29], $0x1  }
0xb6: {  	[sflag:s29] =	ssyncadd.s32 $0xFFFFFFFF  }
0xb7: {  	_ =	strace $0x90000048  }
0xb8: {  	_ =	sfence  }
0xb9: {  	s30 =	sld [smem:$0x0];
	_ =	sdelay $0x2  }
0xba: {  	s31 =	sshll.u32 s1, $0xD;
	s1 =	sshrl.u32 s1, $0x2  }
0xbb: {  	s3 =	sand.u32 $0x4000, s31;
	s1 =	sadd.s32 s1, s30  }
0xbc: {  	s0 =	sor.u32 s3, s0;
	s1 =	sshll.u32 s1, $0x11  }
0xbd: {  	s0 =	sor.u32 s1, s0  }
0xbe: {  	s0 =	sadd.s32 $0x8F2B, s0  }
0xbf: {  	[sflag:s0] =	ssyncadd.remote.s32 $0x1  }
0xc0: {  	_ =	sfence.sel $0xFFFF  }
0xc1: {  	[dreg:$0x0] =	wrdreg $0xFFFFFFFF;
	(pc) =	sbr.abs _section_cstart, $3  }
0xc2: {  	[dreg:$0x1] =	wrdreg $0xFFFFFFFF  }
0xc3: {  	_ =	task.clear_ibuf [dreg:s7], $0x2FFFF;
	_ =	strace $0x9FFFFFFF  }
0xc4: {  	(tm) =	ssettm $0x7FFFFFFF  }
0xc5: {  	_ =	shalt  }
tec
execute0_lowered:
.L_overlay_start_1:
0x0: {  	(tag) =	ssettag $0x1  }
0x1: {  	s11 =	rddreg [dreg:$0x0]  }
0x2: {  	s0 =	rddreg [dreg:$0x1]  }
0x3: {  	s3 =	rddreg [dreg:$0x2]  }
0x4: {  	s4 =	rddreg [dreg:$0x3];
	s15 =	stileid.u32  }
0x5: {  	s2 =	simm.s32 $0x0;
	s23 =	srdreg.scid;
	s13 =	simm.s32 $0x4F  }
0x6: {  	s30 =	simm.s32 $0x4;
	s29 =	simm.s32 $0x280;
	s31 =	simm.s32 $0x1  }
0x7: {  	s1 =	smul.u32 $0x1868, s15;
	[smem:$0x7FF] =	sst s2;
	s2 =	sand.u32 $0x1, s23  }
0x8: {  	s6 =	sadd.s32 $0x3600, s11;
	s7 =	sadd.s32 $0x34400, s11;
	s10 =	smul.u32 $0x61A80, s15  }
0x9: {  	s9 =	sadd.s32 $0x200, s11;
	s25 =	sshll.u32 s15, $0x1;
	s26 =	smul.u32 $0x186A0, s15  }
0xa: {  	p0 =	slt.u32 s15, $0x2;
	_ =	strace $0x80000047;
	s8 =	ssub.s32 $0x2, s2  }
0xb: {  	[dreg:$0x5] =	wrdreg s9;
	s9 =	sor.u32 s2, s25;
	s2 =	smul.u32 $0x186A00, s2  }
0xc: {  	s13 =	simm.s32 @!p0 $0x4E;
	p0 =	sne.s32 s15, $0xF;
	s5 =	sshrl.u32 s1, $0x3  }
0xd: {  	s24 =	sshrl.u32 s8, $0x1;
	s1 =	sadd.s32 s1, s3;
	s10 =	sshrl.u32 s10, $0x2  }
0xe: {  	s16 =	smul.u32 $0x4E, s9;
	s9 =	smin.u32 s9, $0x4;
	s17 =	sadd.s32 s26, s4  }
0xf: {  	s5 =	sadd.s32 s5, s11;
	s8 =	ssub.s32 s8, s24;
	s11 =	sadd.s32 $0x34D0, s11  }
0x10: {  	s2 =	sadd.s32 s26, s2;
	s23 =	sshrl.u32 s1, $0x3;
	s1 =	simm.s32 $0x3  }
0x11: {  	s5 =	sadd.s32 $0x400, s5;
	[dreg:$0x7] =	wrdreg s11;
	s11 =	sadd.s32 s10, s4  }
0x12: {  	s14 =	sadd.s32 s9, s16;
	s2 =	sshrl.u32 s2, $0x3;
	s25 =	smax.u32 s8, $0x1  }
0x13: {  	[dreg:$0x6] =	wrdreg s5;
	s5 =	sadd.s32 $0x18680, s3;
	s12 =	sadd.s32 $0x16800, s11  }
0x14: {  	s0 =	sadd.s32 s0, s2;
	[dreg:$0xa] =	wrdreg s25;
	s26 =	sadd.s32 $0x2800, s11  }
0x15: {  	s18 =	sadd.s32 $0x5000, s11;
	s19 =	sadd.s32 $0x7800, s11;
	s20 =	sadd.s32 $0xA000, s11  }
0x16: {  	s21 =	sadd.s32 $0xC800, s11;
	s22 =	sadd.s32 $0xF000, s11;
	[dreg:$0x8] =	wrdreg s12  }
0x17: {  	s25 =	sshrl.u32 s17, $0x3;
	s28 =	sadd.s32 $0x14000, s11;
	[dreg:$0x9] =	wrdreg s0  }
0x18: {  	v1 =	vlaneseq.u32;
	s2 =	simm.s32 $0x2;
	[dreg:$0xb] =	wrdreg s26;
	s24 =	sshrl.u32 @!p0 s5, $0x3  }
0x19: {  	v0 =	vimm.f32 $0.0e+00;
	v1 =	vmul.u32 $0x10, v1;
	s26 =	sadd.s32 $0x11800, s11;
	s0 =	simm.s32 $0xA00;
	s5 =	simm.s32 $0x0  }
.LBB2_1:
0x1a: {  	s9 =	simm.s32 $0x0;
	s8 =	rddreg [dreg:$0x5];
	s10 =	simm.s32 $0x3200  }
0x1b: {  	[tilespmem:s10], [sflag:$0x4] =	stream.linear.gather [hbm4b:s8+s9], $0x80, $0x38;
	[tilespmem:$0x1D210] =	vst v63  }
0x1c: {  	_ =	swait.ge [sflag:s30], $0x80  }
0x1d: {  	[sflag:s30] =	ssyncset.done $0x0  }
0x1e: {  	[sflag:s30] =	ssyncadd.s32 $0xFFFFFF80  }
0x1f: {  	s15 =	simm.s32 $0x3280;
	s12 =	rddreg [dreg:$0x0]  }
0x20: {  	[tilespmem:s15], [sflag:$0x4] =	stream.linear.gather [hbm4b:s12+s9], $0x80, $0x38;
	[tilespmem:$0x1D210] =	vst v63  }
0x21: {  	s16 =	stileid.u32;
	_ =	swait.ge [sflag:s30], $0x80  }
0x22: {  	s8 =	sshll.u32 s16, $0x6;
	[sflag:s30] =	ssyncset.done $0x0  }
0x23: {  	s8 =	sor.u32 $0x1C04, s8;
	s17 =	rddreg [dreg:$0x6];
	[sflag:s30] =	ssyncadd.s32 $0xFFFFFF80  }
0x24: {  	[spmem:s23], [sflag:s8] =	dma.local [hbm:s17], $0x30D  }
0x25: {  	_ =	swait.ge [sflag:s30], $0x30D  }
0x26: {  	[sflag:s30] =	ssyncset.done $0x0  }
0x27: {  	s9 =	rddreg [dreg:$0x7];
	[sflag:s30] =	ssyncadd.s32 $0xFFFFFCF3  }
0x28: {  	[spmem:s24], [sflag:s8] =	dma.local @!p0 [hbm:s9], $0x4  }
0x29: {  	s9 =	simm.s32 @!p0 $0x4  }
0x2a: {  	_ =	swait.ge @!p0 [sflag:s9], $0x4  }
0x2b: {  	[sflag:s9] =	ssyncset.done @!p0 $0x0  }
0x2c: {  	s10 =	simm.s32 $0x0;
	[sflag:s9] =	ssyncadd.s32 @!p0 $0xFFFFFFFC;
	s9 =	simm.s32 $0x40  }
.LBB2_2:
0x2d: {  	p1 =	sne.s32 s9, $0x9FC0;
	[tilespmem:s10+$0xA00] =	vst v0;
	s10 =	smov.u32 s9;
	s9 =	sadd.s32 $0x40, s9  }
.Ltmp0:
0x2e: {  	(pc) =	sbr.rel @p1 .LBB2_2-.Ltmp0, $2  }
0x2f: {  	_ =	sdelay $0x2  }
0x30: {  	s10 =	sshra.s32 s10, $0x2  }
0x31: {  	[tilespmem:s10+$0xA00] =	vst v0  }
0x32: {  	[spmem:s11] =	stream.linear.scatter [tilespmem:s0], [sflag:$0x4], $0x2800, $0x38;
	[tilespmem:$0x1D210] =	vst v63  }
0x33: {  	_ =	swait.ge [sflag:s30], $0x2800  }
0x34: {  	[sflag:s30] =	ssyncset.done $0x0  }
0x35: {  	s9 =	rddreg [dreg:$0xb];
	[sflag:s30] =	ssyncadd.s32 $0xFFFFD800  }
0x36: {  	[spmem:s9] =	stream.linear.scatter [tilespmem:s0], [sflag:$0x4], $0x2800, $0x38;
	[tilespmem:$0x1D210] =	vst v63  }
0x37: {  	_ =	swait.ge [sflag:s30], $0x2800  }
0x38: {  	[sflag:s30] =	ssyncset.done $0x0  }
0x39: {  	[sflag:s30] =	ssyncadd.s32 $0xFFFFD800  }
0x3a: {  	[spmem:s18] =	stream.linear.scatter [tilespmem:s0], [sflag:$0x4], $0x2800, $0x38;
	[tilespmem:$0x1D210] =	vst v63  }
0x3b: {  	_ =	swait.ge [sflag:s30], $0x2800  }
0x3c: {  	[sflag:s30] =	ssyncset.done $0x0  }
0x3d: {  	[sflag:s30] =	ssyncadd.s32 $0xFFFFD800  }
0x3e: {  	[spmem:s19] =	stream.linear.scatter [tilespmem:s0], [sflag:$0x4], $0x2800, $0x38;
	[tilespmem:$0x1D210] =	vst v63  }
0x3f: {  	_ =	swait.ge [sflag:s30], $0x2800  }
0x40: {  	[sflag:s30] =	ssyncset.done $0x0  }
0x41: {  	[sflag:s30] =	ssyncadd.s32 $0xFFFFD800  }
0x42: {  	[spmem:s20] =	stream.linear.scatter [tilespmem:s0], [sflag:$0x4], $0x2800, $0x38;
	[tilespmem:$0x1D210] =	vst v63  }
0x43: {  	_ =	swait.ge [sflag:s30], $0x2800  }
0x44: {  	[sflag:s30] =	ssyncset.done $0x0  }
0x45: {  	[sflag:s30] =	ssyncadd.s32 $0xFFFFD800  }
0x46: {  	[spmem:s21] =	stream.linear.scatter [tilespmem:s0], [sflag:$0x4], $0x2800, $0x38;
	[tilespmem:$0x1D210] =	vst v63  }
0x47: {  	_ =	swait.ge [sflag:s30], $0x2800  }
0x48: {  	[sflag:s30] =	ssyncset.done $0x0  }
0x49: {  	[sflag:s30] =	ssyncadd.s32 $0xFFFFD800  }
0x4a: {  	[spmem:s22] =	stream.linear.scatter [tilespmem:s0], [sflag:$0x4], $0x2800, $0x38;
	[tilespmem:$0x1D210] =	vst v63  }
0x4b: {  	_ =	swait.ge [sflag:s30], $0x2800  }
0x4c: {  	[sflag:s30] =	ssyncset.done $0x0  }
0x4d: {  	[sflag:s30] =	ssyncadd.s32 $0xFFFFD800  }
0x4e: {  	[spmem:s26] =	stream.linear.scatter [tilespmem:s0], [sflag:$0x4], $0x2800, $0x38;
	[tilespmem:$0x1D210] =	vst v63  }
0x4f: {  	_ =	swait.ge [sflag:s30], $0x2800  }
0x50: {  	[sflag:s30] =	ssyncset.done $0x0  }
0x51: {  	[sflag:s30] =	ssyncadd.s32 $0xFFFFD800  }
0x52: {  	[spmem:s28] =	stream.linear.scatter [tilespmem:s0], [sflag:$0x4], $0x2800, $0x38;
	[tilespmem:$0x1D210] =	vst v63  }
0x53: {  	_ =	swait.ge [sflag:s30], $0x2800  }
0x54: {  	[sflag:s30] =	ssyncset.done $0x0  }
0x55: {  	s17 =	rddreg [dreg:$0x8];
	[sflag:s30] =	ssyncadd.s32 $0xFFFFD800  }
0x56: {  	[spmem:s17] =	stream.linear.scatter [tilespmem:s0], [sflag:$0x4], $0x1EA0, $0x38;
	[tilespmem:$0x1D210] =	vst v63  }
0x57: {  	_ =	swait.ge [sflag:s30], $0x1EA0  }
0x58: {  	[sflag:s30] =	ssyncset.done $0x0  }
0x59: {  	[sflag:s30] =	ssyncadd.s32 $0xFFFFE160  }
0x5a: {  	[bflag:$0x0] =	sbarrier.arrive $0xFFFF  }
0x5b: {  	v2 =	vld [tilespmem:$0x3200]  }
0x5c: {  	v3 =	vld [tilespmem:$0x3210]  }
0x5d: {  	v4 =	vld [tilespmem:$0x3220]  }
0x5e: {  	v5 =	vld [tilespmem:$0x3230]  }
0x5f: {  	v6 =	vld [tilespmem:$0x3240]  }
0x60: {  	v7 =	vld [tilespmem:$0x3250]  }
0x61: {  	v8 =	vld [tilespmem:$0x3260]  }
0x62: {  	v9 =	vld [tilespmem:$0x3270]  }
0x63: {  	v10 =	vld [tilespmem:$0x3280]  }
0x64: {  	v11 =	vld [tilespmem:$0x3290]  }
0x65: {  	v12 =	vld [tilespmem:$0x32A0]  }
0x66: {  	v16 =	vld [tilespmem:$0x32E0]  }
0x67: {  	v17 =	vld [tilespmem:$0x32F0]  }
0x68: {  	v13 =	vld [tilespmem:$0x32B0]  }
0x69: {  	v14 =	vld [tilespmem:$0x32C0]  }
0x6a: {  	s10 =	simm.s32 $0x0;
	s9 =	simm.s32 $0x0;
	v15 =	vld [tilespmem:$0x32D0]  }
.LBB2_4:
0x6b: {  	s12 =	sadd.s32 s10, s14  }
0x6c: {  	s12 =	smul.u32 $0x50, s12;
	_ =	sdelay $0x1  }
0x6d: {  	s15 =	sadd.s32 s6, s12  }
0x6e: {  	[tilespmem:s9], [sflag:$0x1] =	stream.linear.gather [hbm4b:s15+s9], $0x280, $0x38;
	[tilespmem:$0x1D210] =	vst v63  }
0x6f: {  	s12 =	sadd.s32 s7, s12  }
0x70: {  	[tilespmem:s29], [sflag:$0x1] =	stream.linear.gather [hbm4b:s12+s9], $0x280, $0x38;
	[tilespmem:$0x1D210] =	vst v63  }
0x71: {  	_ =	swait.ge [sflag:s31], $0x280  }
0x72: {  	[sflag:s31] =	ssyncset.done $0x0  }
0x73: {  	[sflag:s31] =	ssyncadd.s32 $0xFFFFFD80  }
0x74: {  	_ =	swait.ge [sflag:s31], $0x280  }
0x75: {  	[sflag:s31] =	ssyncset.done $0x0  }
0x76: {  	s12 =	simm.s32 $0x500;
	[sflag:s31] =	ssyncadd.s32 $0xFFFFFD80  }
0x77: {  	[tilespmem:s12], [sflag:$0x2] =	stream.indirect.gather [spmem:s3], $0x1, s9, s29, $0xb8;
	[tilespmem:$0x1D210] =	vst v63  }
0x78: {  	s15 =	simm.s32 $0x780  }
0x79: {  	[tilespmem:s15], [sflag:$0x2] =	stream.indirect.gather [spmem:s3], $0x1, s29, s29, $0xb8;
	[tilespmem:$0x1D210] =	vst v63  }
0x7a: {  	_ =	swait.ge [sflag:s2], $0x280  }
0x7b: {  	[sflag:s2] =	ssyncset.done $0x0  }
0x7c: {  	[sflag:s2] =	ssyncadd.s32 $0xFFFFFD80  }
0x7d: {  	_ =	swait.ge [sflag:s2], $0x280  }
0x7e: {  	[sflag:s2] =	ssyncset.done $0x0  }
0x7f: {  	[sflag:s2] =	ssyncadd.s32 $0xFFFFFD80  }
0x80: {  	v19 =	vld [tilespmem:s15+$0x0]  }
0x81: {  	v18 =	vld [tilespmem:s12+$0x0];
	_ =	sdelay $0x4  }
0x82: {  	v21 =	vmul.f32 v19, v14;
	v22 =	vmul.f32 v18, v2  }
0x83: {  	v23 =	vmul.f32 v19, v10;
	v24 =	vmul.f32 v18, v3  }
0x84: {  	v25 =	vmul.f32 v19, v11;
	v26 =	vmul.f32 v19, v12  }
0x85: {  	v27 =	vmul.f32 v19, v13;
	v23 =	vadd.f32 v23, v22;
	v22 =	vmul.f32 v18, v4  }
0x86: {  	v29 =	vmul.f32 v18, v6;
	v24 =	vadd.f32 v25, v24;
	v25 =	vmul.f32 v18, v5  }
0x87: {  	v20 =	vmul.f32 v19, v15;
	v28 =	vmul.f32 $2.000000030e-01, v23;
	v26 =	vadd.f32 v26, v22  }
0x88: {  	v62 =	vadd.f32 v21, v29;
	v30 =	vmul.f32 $2.000000030e-01, v24;
	v25 =	vadd.f32 v27, v25  }
0x89: {  	v22 =	vmul.f32 v18, v7;
	v23 =	vmax.f32 v23, v28;
	v27 =	vmul.f32 $2.000000030e-01, v26  }
0x8a: {  	v63 =	vmul.f32 $2.000000030e-01, v25;
	v21 =	vmul.f32 $1.442695020e+00, v23;
	v23 =	vmax.f32 v24, v30  }
0x8b: {  	v30 =	vmul.f32 $1.442695020e+00, v23;
	v23 =	vmax.f32 v26, v27;
	v26 =	vmul.f32 $2.000000030e-01, v62  }
0x8c: {  	v24 =	vmul.f32 $1.442695020e+00, v23;
	v23 =	vmax.f32 v25, v63;
	(erf) = vpow2.f32 v21  }
0x8d: {  	s16 =	simm.s32 $0x10;
	s17 =	simm.s32 $0x0;
	v21 =	vmul.f32 $1.442695020e+00, v23;
	v23 =	vmax.f32 v62, v26;
	(erf) = vpow2.f32 v30  }
.LBB2_5:
0x8e: {  	p1 =	sne.s32 s16, $0x270;
	v20 =	vadd.f32 v20, v22;
	v22 =	vmul.f32 v18, v8;
	v25 =	vmul.f32 v19, v16;
	s12 =	sadd.s32 $0x10, s12;
	s15 =	sadd.s32 $0x10, s15  }
0x8f: {  	v26 =	vmov s17;
	v27 =	vmul.f32 v18, v9;
	v19 =	vmul.f32 v19, v17;
	s17 =	smov.u32 s16;
	s16 =	sadd.s32 $0x10, s16  }
0x90: {  	v26 =	vshll.u32 v26, $0x4;
	v28 =	vmul.f32 $2.000000030e-01, v20;
	(erf) = vpow2.f32 v24  }
0x91: {  	v24 =	vor.u32 v1, v26;
	v22 =	vadd.f32 v25, v22;
	v19 =	vadd.f32 v19, v27  }
0x92: {  	v23 =	vmul.f32 $1.442695020e+00, v23;
	v25 =	vor.u32 $0x8, v24;
	(erf) = vpow2.f32 v21  }
0x93: {  	v21 =	vor.u32 $0x2, v24;
	v20 =	vmax.f32 v20, v28;
	v29 =	vmul.f32 $2.000000030e-01, v22  }
0x94: {  	v27 =	vor.u32 $0x1, v24;
	v30 =	vmul.f32 $2.000000030e-01, v19;
	(erf) = vpow2.f32 v23  }
0x95: {  	v20 =	vmul.f32 $1.442695020e+00, v20;
	v23 =	vor.u32 $0x9, v24;
	v22 =	vmax.f32 v22, v29;
	v26 =	vpop (erf)  }
0x96: {  	v19 =	vmax.f32 v19, v30;
	v22 =	vmul.f32 $1.442695020e+00, v22;
	v29 =	vmul.f32 v26, v18;
	v28 =	vpop (erf)  }
0x97: {  	v19 =	vmul.f32 $1.442695020e+00, v19;
	[tilespmem:v24+s0+$0x0] =	vst.idx.msk $0xffff, v26;
	v26 =	vor.u32 $0xA, v24;
	(erf) = vpow2.f32 v20  }
0x98: {  	v20 =	vmul.f32 v28, v18;
	[tilespmem:v25+s0+$0x0] =	vst.idx.msk $0xffff, v29;
	v25 =	vor.u32 $0x3, v24;
	(erf) = vpow2.f32 v22  }
0x99: {  	v22 =	vor.u32 $0xB, v24;
	[tilespmem:v27+s0+$0x0] =	vst.idx.msk $0xffff, v28;
	v27 =	vpop (erf)  }
0x9a: {  	[tilespmem:v23+s0+$0x0] =	vst.idx.msk $0xffff, v20;
	v20 =	vmul.f32 v27, v18;
	v23 =	vor.u32 $0x4, v24;
	(erf) = vpow2.f32 v19  }
0x9b: {  	v19 =	vor.u32 $0xC, v24;
	[tilespmem:v21+s0+$0x0] =	vst.idx.msk $0xffff, v27;
	v21 =	vpop (erf)  }
0x9c: {  	[tilespmem:v26+s0+$0x0] =	vst.idx.msk $0xffff, v20;
	v20 =	vmul.f32 v21, v18;
	v26 =	vor.u32 $0x5, v24  }
0x9d: {  	[tilespmem:v25+s0+$0x0] =	vst.idx.msk $0xffff, v21;
	v21 =	vpop (erf)  }
0x9e: {  	[tilespmem:v22+s0+$0x0] =	vst.idx.msk $0xffff, v20;
	v28 =	vmul.f32 v21, v18;
	v22 =	vor.u32 $0xD, v24  }
0x9f: {  	[tilespmem:v23+s0+$0x0] =	vst.idx.msk $0xffff, v21;
	v21 =	vor.u32 $0x6, v24  }
0xa0: {  	[tilespmem:v19+s0+$0x0] =	vst.idx.msk $0xffff, v28;
	v19 =	vor.u32 $0xE, v24;
	v20 =	vpop (erf)  }
0xa1: {  	v23 =	vor.u32 $0x7, v24;
	[tilespmem:v26+s0+$0x0] =	vst.idx.msk $0xffff, v20;
	v27 =	vmul.f32 v20, v18;
	v25 =	vpop (erf)  }
0xa2: {  	v24 =	vor.u32 $0xF, v24;
	v26 =	vmul.f32 v25, v18  }
0xa3: {  	[tilespmem:v22+s0+$0x0] =	vst.idx.msk $0xffff, v27;
	v20 =	vpop (erf)  }
0xa4: {  	[tilespmem:v21+s0+$0x0] =	vst.idx.msk $0xffff, v25;
	v18 =	vmul.f32 v20, v18  }
0xa5: {  	[tilespmem:v19+s0+$0x0] =	vst.idx.msk $0xffff, v26  }
0xa6: {  	[tilespmem:v23+s0+$0x0] =	vst.idx.msk $0xffff, v20  }
0xa7: {  	[tilespmem:v24+s0+$0x0] =	vst.idx.msk $0xffff, v18  }
0xa8: {  	v19 =	vld [tilespmem:s15+$0x0]  }
0xa9: {  	v18 =	vld [tilespmem:s12+$0x0];
	_ =	sdelay $0x3  }
0xaa: {  	v21 =	vmul.f32 v19, v14;
	v20 =	vmul.f32 v19, v15  }
0xab: {  	v23 =	vmul.f32 v19, v10;
	v22 =	vmul.f32 v18, v2  }
0xac: {  	v25 =	vmul.f32 v19, v11;
	v24 =	vmul.f32 v18, v3  }
0xad: {  	v26 =	vmul.f32 v19, v12;
	v23 =	vadd.f32 v23, v22;
	v22 =	vmul.f32 v18, v4  }
0xae: {  	v27 =	vmul.f32 v19, v13;
	v24 =	vadd.f32 v25, v24;
	v25 =	vmul.f32 v18, v5  }
0xaf: {  	v29 =	vmul.f32 v18, v6;
	v28 =	vmul.f32 $2.000000030e-01, v23;
	v26 =	vadd.f32 v26, v22  }
0xb0: {  	v30 =	vmul.f32 $2.000000030e-01, v24;
	v25 =	vadd.f32 v27, v25;
	v22 =	vmul.f32 v18, v7  }
.Ltmp1:
0xb1: {  	v23 =	vmax.f32 v23, v28;
	v27 =	vmul.f32 $2.000000030e-01, v26;
	v28 =	vadd.f32 v21, v29;
	(pc) =	sbr.rel @p1 .LBB2_5-.Ltmp1, $4  }
0xb2: {  	v29 =	vmul.f32 $2.000000030e-01, v25;
	v21 =	vmul.f32 $1.442695020e+00, v23;
	v23 =	vmax.f32 v24, v30  }
0xb3: {  	v30 =	vmul.f32 $1.442695020e+00, v23;
	v23 =	vmax.f32 v26, v27;
	v26 =	vmul.f32 $2.000000030e-01, v28  }
0xb4: {  	v24 =	vmul.f32 $1.442695020e+00, v23;
	v23 =	vmax.f32 v25, v29;
	(erf) = vpow2.f32 v21  }
0xb5: {  	v21 =	vmul.f32 $1.442695020e+00, v23;
	v23 =	vmax.f32 v28, v26;
	(erf) = vpow2.f32 v30  }
0xb6: {  	v36 =	vmul.f32 v18, v8;
	v25 =	vmul.f32 v19, v16  }
0xb7: {  	v20 =	vadd.f32 v20, v22;
	v27 =	vmul.f32 v18, v9;
	v19 =	vmul.f32 v19, v17  }
0xb8: {  	v26 =	vmov s17;
	(erf) = vpow2.f32 v24;
	v23 =	vmul.f32 $1.442695020e+00, v23  }
0xb9: {  	v26 =	vshll.u32 v26, $0x4;
	(erf) = vpow2.f32 v21;
	v28 =	vmul.f32 $2.000000030e-01, v20  }
0xba: {  	v37 =	vor.u32 v1, v26;
	v22 =	vadd.f32 v25, v36;
	v19 =	vadd.f32 v19, v27  }
0xbb: {  	(erf) = vpow2.f32 v23;
	v38 =	vor.u32 $0x8, v37;
	v20 =	vmax.f32 v20, v28  }
0xbc: {  	v41 =	vor.u32 $0x1, v37;
	v40 =	vmul.f32 $2.000000030e-01, v22;
	v20 =	vmul.f32 $1.442695020e+00, v20  }
0xbd: {  	v39 =	vor.u32 $0x2, v37;
	v29 =	vor.u32 $0x9, v37;
	v27 =	vmul.f32 $2.000000030e-01, v19;
	v42 =	vpop (erf)  }
0xbe: {  	v22 =	vmax.f32 v22, v40;
	(erf) = vpow2.f32 v20;
	v43 =	vmul.f32 v42, v18  }
0xbf: {  	v45 =	vor.u32 $0xA, v37;
	v22 =	vmul.f32 $1.442695020e+00, v22;
	v44 =	vpop (erf);
	[tilespmem:v37+s0+$0x0] =	vst.idx.msk $0xffff, v42  }
0xc0: {  	v47 =	vor.u32 $0x3, v37;
	v19 =	vmax.f32 v19, v27;
	v46 =	vmul.f32 v44, v18;
	[tilespmem:v38+s0+$0x0] =	vst.idx.msk $0xffff, v43  }
0xc1: {  	v48 =	vor.u32 $0xB, v37;
	v19 =	vmul.f32 $1.442695020e+00, v19;
	(erf) = vpow2.f32 v22;
	v49 =	vpop (erf);
	[tilespmem:v41+s0+$0x0] =	vst.idx.msk $0xffff, v44  }
0xc2: {  	v51 =	vor.u32 $0x4, v37;
	v50 =	vmul.f32 v49, v18;
	[tilespmem:v29+s0+$0x0] =	vst.idx.msk $0xffff, v46  }
0xc3: {  	(erf) = vpow2.f32 v19;
	v19 =	vor.u32 $0xC, v37;
	v52 =	vpop (erf);
	[tilespmem:v39+s0+$0x0] =	vst.idx.msk $0xffff, v49  }
0xc4: {  	v53 =	vmul.f32 v52, v18;
	[tilespmem:v45+s0+$0x0] =	vst.idx.msk $0xffff, v50  }
0xc5: {  	v54 =	vor.u32 $0x5, v37;
	v55 =	vpop (erf);
	[tilespmem:v47+s0+$0x0] =	vst.idx.msk $0xffff, v52  }
0xc6: {  	v56 =	vor.u32 $0xD, v37;
	v57 =	vmul.f32 v55, v18;
	[tilespmem:v48+s0+$0x0] =	vst.idx.msk $0xffff, v53  }
0xc7: {  	v58 =	vor.u32 $0x6, v37;
	v60 =	vpop (erf);
	[tilespmem:v51+s0+$0x0] =	vst.idx.msk $0xffff, v55  }
0xc8: {  	v59 =	vor.u32 $0xE, v37;
	[tilespmem:v19+s0+$0x0] =	vst.idx.msk $0xffff, v57;
	v19 =	vmul.f32 v60, v18  }
0xc9: {  	v61 =	vor.u32 $0x7, v37  }
0xca: {  	v24 =	vor.u32 $0xF, v37;
	v62 =	vpop (erf);
	[tilespmem:v54+s0+$0x0] =	vst.idx.msk $0xffff, v60  }
0xcb: {  	v63 =	vmul.f32 v62, v18;
	[tilespmem:v56+s0+$0x0] =	vst.idx.msk $0xffff, v19  }
0xcc: {  	[tilespmem:v58+s0+$0x0] =	vst.idx.msk $0xffff, v62;
	v19 =	vpop (erf)  }
0xcd: {  	s10 =	sadd.s32 $0x1, s10;
	[tilespmem:v59+s0+$0x0] =	vst.idx.msk $0xffff, v63;
	v18 =	vmul.f32 v19, v18  }
0xce: {  	p1 =	sne.s32 s10, s13;
	[tilespmem:v61+s0+$0x0] =	vst.idx.msk $0xffff, v19  }
.Ltmp2:
0xcf: {  	[tilespmem:v24+s0+$0x0] =	vst.idx.msk $0xffff, v18;
	(pc) =	sbr.rel @p1 .LBB2_4-.Ltmp2, $4  }
0xd0: {  	[spmem:s4] =	stream.indirect.scatter.add.f32 [tilespmem:s0], [sflag:$0x3], $0x10, s29, s29, $0xb8;
	[tilespmem:$0x1D210] =	vst v63  }
0xd1: {  	_ =	swait.ge [sflag:s1], $0x2800  }
0xd2: {  	[sflag:s1] =	ssyncset.done $0x0  }
0xd3: {  	[sflag:s1] =	ssyncadd.s32 $0xFFFFD800  }
0xd4: {  	[bflag:$0x0] =	sbarrier.arrive $0xFFFF  }
0xd5: {  	s9 =	rddreg [dreg:$0x9]  }
0xd6: {  	[hbm:s9], [sflag:s8] =	dma.local [spmem:s25], $0x30D4  }
0xd7: {  	_ =	swait.ge [sflag:s30], $0x30D4  }
0xd8: {  	s5 =	sadd.s32 $0x1, s5;
	s17 =	rddreg [dreg:$0xa]  }
0xd9: {  	p1 =	sne.s32 s5, s17  }
.Ltmp3:
0xda: {  	_ = 	snop;
	(pc) =	sbr.rel @p1 .LBB2_1-.Ltmp3, $3  }
0xdb: {  	_ =	sdelay $0x1  }
0xdc: {  	[sflag:s30] =	ssyncset.done $0x0  }
0xdd: {  	[sflag:s30] =	ssyncadd.s32 $0xFFFFCF2C  }
0xde: {  	_ =	sfence.sel $0x180000  }
0xdf: {  	[bflag:$0x0] =	sbarrier.arrive $0xFFFF  }
0xe0: {  	_ =	strace $0x90000047  }
0xe1: {  	s0 =	stileid.u32;
	[bflag:$0x2] =	sbarrier.arrive $0xFFFF  }
0xe2: {  	p0 =	sne.s32 s0, $0x0;
	s0 =	rddreg [dreg:$0x4]  }
0xe3: {  	s0 =	sadd.s32 @!p0 $0x100000, s0  }
0xe4: {  	[sflag:s0] =	ssyncadd.tile.s32 @!p0 $0x1;
	_ =	shalt  }
.Lfunc_end2:
_tile_overlayer_lowered:
.L_overlay_start_2:
0xe5: {  	(tag) =	ssettag $0x2  }
0xe6: {  	s0 =	rddreg [dreg:$0x0];
	s2 =	stileid.u32  }
0xe7: {  	s1 =	rddreg [dreg:$0x1];
	p0 =	sne.s32 s2, $0x0  }
0xe8: {  	s3 =	rddreg [dreg:$0x2];
	[bflag:$0x3] =	sbarrier.arrive $0xFFFF;
	s2 =	simm.s32 @!p0 $0x1C04  }
0xe9: {  	[timem:s3], [sflag:s2] =	dma.local @!p0 [hbm:s0], s1  }
0xea: {  	s0 =	simm.s32 @!p0 $0x4  }
0xeb: {  	_ =	swait.ge @!p0 [sflag:s0], s1  }
0xec: {  	s1 =	ssub.s32 @!p0 $0x0, s1;
	[sflag:s0] =	ssyncset.done @!p0 $0x0  }
0xed: {  	[sflag:s0] =	ssyncadd.s32 @!p0 s1  }
0xee: {  	[bflag:$0x3] =	sbarrier.arrive $0xFFFF  }
0xef: {  	_ =	shalt  }

</sc_bundles>
